<compile_context>
chip_gen: v7x
topology: tpu7x:2x2x1
jax: 0.10.2.dev20260603
libtpu: 0.0.44.dev20260713+nightly
codegen_flags: <defaults>
</compile_context>

<pallas_src>
import jax
import jax.numpy as jnp
from jax import lax
from jax.experimental import pallas as pl
from jax.experimental.pallas import tpu as pltpu
from jax.experimental.pallas import tpu_sc as plsc

F = 26
V = 100000
D = 32
B = 16384

NW = 32
NTASK = F * D
PER_W = NTASK // NW
CHUNK = 8192
NCHUNK = B // CHUNK
L = 16
UNROLL = 8

PIECES = ((0, 25088), (25088, 24960), (50048, 24960), (75008, 24960))
TS = 99968
VP = 100096


def _body(tab_hbm, tail_hbm, x_hbm, out_hbm, row_v, idx_v, out_v, sem_r):
    cid = lax.axis_index("c")
    sid = lax.axis_index("s")
    wid = sid * 2 + cid

    def coords(task):
        return task // D, task % D

    def fire_row(f, c):
        for off, ln in PIECES:
            pltpu.async_copy(
                tab_hbm.at[f, c, pl.ds(off, ln)], row_v.at[pl.ds(off, ln)], sem_r
            )
        pltpu.async_copy(tail_hbm.at[f, c], row_v.at[pl.ds(TS, 128)], sem_r)

    def wait_row(f, c):
        for off, ln in PIECES:
            pltpu.make_async_copy(
                tab_hbm.at[f, c, pl.ds(off, ln)], row_v.at[pl.ds(off, ln)], sem_r
            ).wait()
        pltpu.make_async_copy(
            tail_hbm.at[f, c], row_v.at[pl.ds(TS, 128)], sem_r
        ).wait()

    f0, c0 = coords(wid * PER_W)
    fire_row(f0, c0)

    def task_body(j, fprev):
        task = wid * PER_W + j
        f, c = coords(task)
        wait_row(f, c)

        @pl.when(f != fprev)
        def _():
            pltpu.sync_copy(x_hbm.at[f], idx_v)

        for k in range(NCHUNK):

            def gather_body(g, carry2):
                base = g * (L * UNROLL)
                for u in range(UNROLL):
                    off = base + u * L
                    iv = idx_v[pl.ds(k * CHUNK + off, L)]
                    out_v[pl.ds(off, L)] = plsc.load_gather(row_v, [iv])
                return carry2

            lax.fori_loop(0, CHUNK // (L * UNROLL), gather_body, 0)

            if k == NCHUNK - 1:
                @pl.when(j + 1 < PER_W)
                def _():
                    fn, cn = coords(task + 1)
                    fire_row(fn, cn)

            pltpu.sync_copy(out_v, out_hbm.at[task, pl.ds(k * CHUNK, CHUNK)])

        return f

    lax.fori_loop(0, PER_W, task_body, jnp.int32(-1))


@jax.jit
def _run(x_t, tab_t, tail_t):
    mesh = plsc.VectorSubcoreMesh(core_axis_name="c", subcore_axis_name="s")
    kfn = pl.kernel(
        _body,
        mesh=mesh,
        out_type=jax.ShapeDtypeStruct((NTASK, B), jnp.float32),
        scratch_types=[
            pltpu.VMEM((VP,), jnp.float32),
            pltpu.VMEM((B,), jnp.int32),
            pltpu.VMEM((CHUNK,), jnp.float32),
            pltpu.SemaphoreType.DMA,
        ],
        compiler_params=pltpu.CompilerParams(
            use_tc_tiling_on_sc=True, needs_layout_passes=False
        ),
    )
    return kfn(tab_t, tail_t, x_t)


def kernel(x, tables):
    x_t = x.astype(jnp.int32).T
    tab_t = jnp.transpose(tables, (0, 2, 1))
    tail_t = jnp.pad(tab_t[:, :, TS:], ((0, 0), (0, 0), (0, 128 - (V - TS))))
    out_t = _run(x_t, tab_t, tail_t)
    return out_t.T

# --- scband reference (transcript-rebuilt; emitter-appended) ---
"""Pipeline reference for scband-covariates-embedding-4990751998576 (READ-ONLY COPY).

The authoritative reference and input builder live on the scoring server;
editing this copy changes nothing except your own understanding.
"""

import jax, jax.numpy as jnp
import numpy as np

N_FIELDS = 26
VOCAB = 100000
EMB_DIM = 32
BATCH = 16384


def setup_inputs(seed: int = 0) -> dict:
    key = jax.random.key(seed)
    k_idx, k_tab = jax.random.split(key)
    x = jax.random.randint(k_idx, (BATCH, N_FIELDS), 0, VOCAB, dtype=jnp.int64 if jax.config.jax_enable_x64 else jnp.int32)
    # All 26 embedding tables have identical shape (VOCAB, EMB_DIM), stack them.
    tables = jax.random.normal(k_tab, (N_FIELDS, VOCAB, EMB_DIM), dtype=jnp.float32) * 0.02
    return {"x": x, "tables": tables}


def reference(x, tables):
    # Per-field embedding lookup: out[:, i*D:(i+1)*D] = tables[i][x[:, i]]
    field_ids = jnp.arange(N_FIELDS)[None, :]  # (1, F)
    gathered = tables[field_ids, x]            # (B, F, D) fancy gather
    out = gathered.reshape(x.shape[0], N_FIELDS * EMB_DIM)
    # Dropout in eval mode is identity (reference runs in inference mode).
    return out

if __name__ == "__main__":
    import jax
    _d = setup_inputs()
    print(jax.jit(kernel)(*tuple(_d.values())))

</pallas_src>

<mosaic_0001>
#map = affine_map<(d0, d1) -> (0, 0, 0)>
#map1 = affine_map<(d0, d1) -> (0, 0)>
module attributes {stable_mosaic.version = 14 : i64} {
  func.func @_body(%arg0: i32, %arg1: i32, %arg2: memref<26x32x100000xf32, #tpu.memory_space<hbm>>, %arg3: memref<26x32x128xf32, #tpu.memory_space<hbm>>, %arg4: memref<26x16384xi32, #tpu.memory_space<hbm>>, %arg5: memref<832x16384xf32, #tpu.memory_space<hbm>>, %arg6: memref<100096xf32, #tpu.memory_space<vmem>>, %arg7: memref<16384xi32, #tpu.memory_space<vmem>>, %arg8: memref<8192xf32, #tpu.memory_space<vmem>>, %arg9: memref<!tpu.dma_semaphore, #tpu.memory_space<semaphore_mem>>) attributes {dimension_semantics = [#tpu.dimension_semantics<core_parallel>, #tpu.dimension_semantics<subcore_parallel>], iteration_bounds = array<i64: 2, 16>, scalar_prefetch = 0 : i64, scratch_operands = 4 : i64, tpu.core_type = #tpu.core_type<sc_vector_subcore>, window_params = [{transform_indices = #map}, {transform_indices = #map}, {transform_indices = #map1}, {transform_indices = #map1}]} {
    %mul3A = arith.constant 2 : i32
    %mul3A_0 = arith.muli %arg1, %mul3A : i32
    %add3A = arith.addi %mul3A_0, %arg0 : i32
    %mul3A_1 = arith.constant 26 : i32
    %mul3A_2 = arith.muli %add3A, %mul3A_1 : i32
    %jit3A = arith.constant 32 : i32
    %div3A = arith.divsi %mul3A_2, %jit3A : i32
    %sign3A = arith.constant 0 : i32
    %sign3A_3 = arith.cmpi sgt, %mul3A_2, %sign3A : i32
    %sign3A_4 = arith.extui %sign3A_3 : i1 to i32
    %sign3A_5 = arith.constant 0 : i32
    %sign3A_6 = arith.cmpi slt, %mul3A_2, %sign3A_5 : i32
    %sign3A_7 = arith.extui %sign3A_6 : i1 to i32
    %sign3A_8 = arith.subi %sign3A_4, %sign3A_7 : i32
    %sign3A_9 = arith.constant 0 : i32
    %sign3A_10 = arith.cmpi sgt, %jit3A, %sign3A_9 : i32
    %sign3A_11 = arith.extui %sign3A_10 : i1 to i32
    %sign3A_12 = arith.constant 0 : i32
    %sign3A_13 = arith.cmpi slt, %jit3A, %sign3A_12 : i32
    %sign3A_14 = arith.extui %sign3A_13 : i1 to i32
    %sign3A_15 = arith.subi %sign3A_11, %sign3A_14 : i32
    %ne3A = arith.cmpi ne, %sign3A_8, %sign3A_15 : i32
    %rem3A = arith.remsi %mul3A_2, %jit3A : i32
    %ne3A_16 = arith.constant 0 : i32
    %ne3A_17 = arith.cmpi ne, %rem3A, %ne3A_16 : i32
    %and3A = arith.andi %ne3A, %ne3A_17 : i1
    %sub3A = arith.constant 1 : i32
    %sub3A_18 = arith.subi %div3A, %sub3A : i32
    %select_n3A = arith.select %and3A, %sub3A_18, %div3A : i32
    %jit3A_19 = arith.constant 32 : i32
    %eq3A = arith.constant 0 : i32
    %eq3A_20 = arith.cmpi eq, %jit3A_19, %eq3A : i32
    %jit3A_21 = arith.constant 1 : i32
    %select_n3A_22 = arith.select %eq3A_20, %jit3A_21, %jit3A_19 : i32
    %rem3A_23 = arith.remsi %mul3A_2, %select_n3A_22 : i32
    %ne3A_24 = arith.constant 0 : i32
    %ne3A_25 = arith.cmpi ne, %rem3A_23, %ne3A_24 : i32
    %lt3A = arith.constant 0 : i32
    %lt3A_26 = arith.cmpi slt, %rem3A_23, %lt3A : i32
    %lt3A_27 = arith.constant 0 : i32
    %lt3A_28 = arith.cmpi slt, %select_n3A_22, %lt3A_27 : i32
    %ne3A_29 = arith.xori %lt3A_26, %lt3A_28 : i1
    %and3A_30 = arith.andi %ne3A_29, %ne3A_25 : i1
    %add3A_31 = arith.addi %rem3A_23, %select_n3A_22 : i32
    %select_n3A_32 = arith.select %and3A_30, %add3A_31, %rem3A_23 : i32
    %dma_start3A = arith.constant 0 : i32
    %dma_start3A_33 = tpu.memref_slice %arg6[%dma_start3A] : memref<100096xf32, #tpu.memory_space<vmem>> -> memref<25088xf32, #tpu.memory_space<vmem>>
    %dma_start3A_34 = arith.constant 0 : i32
    %dma_start3A_35 = tpu.memref_slice %arg2[%select_n3A, %select_n3A_32, %dma_start3A_34] : memref<26x32x100000xf32, #tpu.memory_space<hbm>> -> memref<1x1x25088xf32, #tpu.memory_space<hbm>>
    %dma_start3A_36 = tpu.memref_squeeze %dma_start3A_35 : memref<1x1x25088xf32, #tpu.memory_space<hbm>> -> memref<25088xf32, #tpu.memory_space<hbm>>
    %dma_start3A_37 = arith.constant 0 : i32
    %dma_start3A_38 = tpu.memref_slice %arg6[%dma_start3A_37] : memref<100096xf32, #tpu.memory_space<vmem>> -> memref<25088xf32, #tpu.memory_space<vmem>>
    %dma_start3A_39 = arith.constant 0 : i32
    %dma_start3A_40 = tpu.memref_slice %arg2[%select_n3A, %select_n3A_32, %dma_start3A_39] : memref<26x32x100000xf32, #tpu.memory_space<hbm>> -> memref<1x1x25088xf32, #tpu.memory_space<hbm>>
    %dma_start3A_41 = tpu.memref_squeeze %dma_start3A_40 : memref<1x1x25088xf32, #tpu.memory_space<hbm>> -> memref<25088xf32, #tpu.memory_space<hbm>>
    tpu.enqueue_dma source(%dma_start3A_41 : memref<25088xf32, #tpu.memory_space<hbm>>) target(%dma_start3A_38 : memref<25088xf32, #tpu.memory_space<vmem>>) target_semaphore(%arg9 : memref<!tpu.dma_semaphore, #tpu.memory_space<semaphore_mem>>)
    %dma_start3A_42 = arith.constant 25088 : i32
    %dma_start3A_43 = tpu.memref_slice %arg6[%dma_start3A_42] : memref<100096xf32, #tpu.memory_space<vmem>> -> memref<24960xf32, #tpu.memory_space<vmem>>
    %dma_start3A_44 = arith.constant 25088 : i32
    %dma_start3A_45 = tpu.memref_slice %arg2[%select_n3A, %select_n3A_32, %dma_start3A_44] : memref<26x32x100000xf32, #tpu.memory_space<hbm>> -> memref<1x1x24960xf32, #tpu.memory_space<hbm>>
    %dma_start3A_46 = tpu.memref_squeeze %dma_start3A_45 : memref<1x1x24960xf32, #tpu.memory_space<hbm>> -> memref<24960xf32, #tpu.memory_space<hbm>>
    %dma_start3A_47 = arith.constant 25088 : i32
    %dma_start3A_48 = tpu.memref_slice %arg6[%dma_start3A_47] : memref<100096xf32, #tpu.memory_space<vmem>> -> memref<24960xf32, #tpu.memory_space<vmem>>
    %dma_start3A_49 = arith.constant 25088 : i32
    %dma_start3A_50 = tpu.memref_slice %arg2[%select_n3A, %select_n3A_32, %dma_start3A_49] : memref<26x32x100000xf32, #tpu.memory_space<hbm>> -> memref<1x1x24960xf32, #tpu.memory_space<hbm>>
    %dma_start3A_51 = tpu.memref_squeeze %dma_start3A_50 : memref<1x1x24960xf32, #tpu.memory_space<hbm>> -> memref<24960xf32, #tpu.memory_space<hbm>>
    tpu.enqueue_dma source(%dma_start3A_51 : memref<24960xf32, #tpu.memory_space<hbm>>) target(%dma_start3A_48 : memref<24960xf32, #tpu.memory_space<vmem>>) target_semaphore(%arg9 : memref<!tpu.dma_semaphore, #tpu.memory_space<semaphore_mem>>)
    %dma_start3A_52 = arith.constant 50048 : i32
    %dma_start3A_53 = tpu.memref_slice %arg6[%dma_start3A_52] : memref<100096xf32, #tpu.memory_space<vmem>> -> memref<24960xf32, #tpu.memory_space<vmem>>
    %dma_start3A_54 = arith.constant 50048 : i32
    %dma_start3A_55 = tpu.memref_slice %arg2[%select_n3A, %select_n3A_32, %dma_start3A_54] : memref<26x32x100000xf32, #tpu.memory_space<hbm>> -> memref<1x1x24960xf32, #tpu.memory_space<hbm>>
    %dma_start3A_56 = tpu.memref_squeeze %dma_start3A_55 : memref<1x1x24960xf32, #tpu.memory_space<hbm>> -> memref<24960xf32, #tpu.memory_space<hbm>>
    %dma_start3A_57 = arith.constant 50048 : i32
    %dma_start3A_58 = tpu.memref_slice %arg6[%dma_start3A_57] : memref<100096xf32, #tpu.memory_space<vmem>> -> memref<24960xf32, #tpu.memory_space<vmem>>
    %dma_start3A_59 = arith.constant 50048 : i32
    %dma_start3A_60 = tpu.memref_slice %arg2[%select_n3A, %select_n3A_32, %dma_start3A_59] : memref<26x32x100000xf32, #tpu.memory_space<hbm>> -> memref<1x1x24960xf32, #tpu.memory_space<hbm>>
    %dma_start3A_61 = tpu.memref_squeeze %dma_start3A_60 : memref<1x1x24960xf32, #tpu.memory_space<hbm>> -> memref<24960xf32, #tpu.memory_space<hbm>>
    tpu.enqueue_dma source(%dma_start3A_61 : memref<24960xf32, #tpu.memory_space<hbm>>) target(%dma_start3A_58 : memref<24960xf32, #tpu.memory_space<vmem>>) target_semaphore(%arg9 : memref<!tpu.dma_semaphore, #tpu.memory_space<semaphore_mem>>)
    %dma_start3A_62 = arith.constant 75008 : i32
    %dma_start3A_63 = tpu.memref_slice %arg6[%dma_start3A_62] : memref<100096xf32, #tpu.memory_space<vmem>> -> memref<24960xf32, #tpu.memory_space<vmem>>
    %dma_start3A_64 = arith.constant 75008 : i32
    %dma_start3A_65 = tpu.memref_slice %arg2[%select_n3A, %select_n3A_32, %dma_start3A_64] : memref<26x32x100000xf32, #tpu.memory_space<hbm>> -> memref<1x1x24960xf32, #tpu.memory_space<hbm>>
    %dma_start3A_66 = tpu.memref_squeeze %dma_start3A_65 : memref<1x1x24960xf32, #tpu.memory_space<hbm>> -> memref<24960xf32, #tpu.memory_space<hbm>>
    %dma_start3A_67 = arith.constant 75008 : i32
    %dma_start3A_68 = tpu.memref_slice %arg6[%dma_start3A_67] : memref<100096xf32, #tpu.memory_space<vmem>> -> memref<24960xf32, #tpu.memory_space<vmem>>
    %dma_start3A_69 = arith.constant 75008 : i32
    %dma_start3A_70 = tpu.memref_slice %arg2[%select_n3A, %select_n3A_32, %dma_start3A_69] : memref<26x32x100000xf32, #tpu.memory_space<hbm>> -> memref<1x1x24960xf32, #tpu.memory_space<hbm>>
    %dma_start3A_71 = tpu.memref_squeeze %dma_start3A_70 : memref<1x1x24960xf32, #tpu.memory_space<hbm>> -> memref<24960xf32, #tpu.memory_space<hbm>>
    tpu.enqueue_dma source(%dma_start3A_71 : memref<24960xf32, #tpu.memory_space<hbm>>) target(%dma_start3A_68 : memref<24960xf32, #tpu.memory_space<vmem>>) target_semaphore(%arg9 : memref<!tpu.dma_semaphore, #tpu.memory_space<semaphore_mem>>)
    %dma_start3A_72 = arith.constant 99968 : i32
    %dma_start3A_73 = tpu.memref_slice %arg6[%dma_start3A_72] : memref<100096xf32, #tpu.memory_space<vmem>> -> memref<128xf32, #tpu.memory_space<vmem>>
    %dma_start3A_74 = arith.constant 0 : i32
    %dma_start3A_75 = tpu.memref_slice %arg3[%select_n3A, %select_n3A_32, %dma_start3A_74] : memref<26x32x128xf32, #tpu.memory_space<hbm>> -> memref<1x1x128xf32, #tpu.memory_space<hbm>>
    %dma_start3A_76 = tpu.memref_squeeze %dma_start3A_75 : memref<1x1x128xf32, #tpu.memory_space<hbm>> -> memref<128xf32, #tpu.memory_space<hbm>>
    %dma_start3A_77 = arith.constant 99968 : i32
    %dma_start3A_78 = tpu.memref_slice %arg6[%dma_start3A_77] : memref<100096xf32, #tpu.memory_space<vmem>> -> memref<128xf32, #tpu.memory_space<vmem>>
    %dma_start3A_79 = arith.constant 0 : i32
    %dma_start3A_80 = tpu.memref_slice %arg3[%select_n3A, %select_n3A_32, %dma_start3A_79] : memref<26x32x128xf32, #tpu.memory_space<hbm>> -> memref<1x1x128xf32, #tpu.memory_space<hbm>>
    %dma_start3A_81 = tpu.memref_squeeze %dma_start3A_80 : memref<1x1x128xf32, #tpu.memory_space<hbm>> -> memref<128xf32, #tpu.memory_space<hbm>>
    tpu.enqueue_dma source(%dma_start3A_81 : memref<128xf32, #tpu.memory_space<hbm>>) target(%dma_start3A_78 : memref<128xf32, #tpu.memory_space<vmem>>) target_semaphore(%arg9 : memref<!tpu.dma_semaphore, #tpu.memory_space<semaphore_mem>>)
    %scan3A = arith.constant -1 : i32
    %scan3A_82 = arith.constant 0 : i32
    %scan3A_83 = arith.constant 26 : i32
    %scan3A_84 = arith.addi %scan3A_82, %scan3A_83 : i32
    %scan3A_85 = arith.constant 1 : i32
    %scan3A_86 = scf.for %scan3A_88 = %scan3A_82 to %scan3A_84 step %scan3A_85 iter_args(%scan3A_89 = %scan3A) -> (i32)  : i32 {
      %mul3A_90 = arith.constant 26 : i32
      %mul3A_91 = arith.muli %add3A, %mul3A_90 : i32
      %add3A_92 = arith.addi %mul3A_91, %scan3A_88 : i32
      %jit3A_93 = arith.constant 32 : i32
      %div3A_94 = arith.divsi %add3A_92, %jit3A_93 : i32
      %sign3A_95 = arith.constant 0 : i32
      %sign3A_96 = arith.cmpi sgt, %add3A_92, %sign3A_95 : i32
      %sign3A_97 = arith.extui %sign3A_96 : i1 to i32
      %sign3A_98 = arith.constant 0 : i32
      %sign3A_99 = arith.cmpi slt, %add3A_92, %sign3A_98 : i32
      %sign3A_100 = arith.extui %sign3A_99 : i1 to i32
      %sign3A_101 = arith.subi %sign3A_97, %sign3A_100 : i32
      %sign3A_102 = arith.constant 0 : i32
      %sign3A_103 = arith.cmpi sgt, %jit3A_93, %sign3A_102 : i32
      %sign3A_104 = arith.extui %sign3A_103 : i1 to i32
      %sign3A_105 = arith.constant 0 : i32
      %sign3A_106 = arith.cmpi slt, %jit3A_93, %sign3A_105 : i32
      %sign3A_107 = arith.extui %sign3A_106 : i1 to i32
      %sign3A_108 = arith.subi %sign3A_104, %sign3A_107 : i32
      %ne3A_109 = arith.cmpi ne, %sign3A_101, %sign3A_108 : i32
      %rem3A_110 = arith.remsi %add3A_92, %jit3A_93 : i32
      %ne3A_111 = arith.constant 0 : i32
      %ne3A_112 = arith.cmpi ne, %rem3A_110, %ne3A_111 : i32
      %and3A_113 = arith.andi %ne3A_109, %ne3A_112 : i1
      %sub3A_114 = arith.constant 1 : i32
      %sub3A_115 = arith.subi %div3A_94, %sub3A_114 : i32
      %select_n3A_116 = arith.select %and3A_113, %sub3A_115, %div3A_94 : i32
      %jit3A_117 = arith.constant 32 : i32
      %eq3A_118 = arith.constant 0 : i32
      %eq3A_119 = arith.cmpi eq, %jit3A_117, %eq3A_118 : i32
      %jit3A_120 = arith.constant 1 : i32
      %select_n3A_121 = arith.select %eq3A_119, %jit3A_120, %jit3A_117 : i32
      %rem3A_122 = arith.remsi %add3A_92, %select_n3A_121 : i32
      %ne3A_123 = arith.constant 0 : i32
      %ne3A_124 = arith.cmpi ne, %rem3A_122, %ne3A_123 : i32
      %lt3A_125 = arith.constant 0 : i32
      %lt3A_126 = arith.cmpi slt, %rem3A_122, %lt3A_125 : i32
      %lt3A_127 = arith.constant 0 : i32
      %lt3A_128 = arith.cmpi slt, %select_n3A_121, %lt3A_127 : i32
      %ne3A_129 = arith.xori %lt3A_126, %lt3A_128 : i1
      %and3A_130 = arith.andi %ne3A_129, %ne3A_124 : i1
      %add3A_131 = arith.addi %rem3A_122, %select_n3A_121 : i32
      %select_n3A_132 = arith.select %and3A_130, %add3A_131, %rem3A_122 : i32
      %dma_wait3A = arith.constant 0 : i32
      %dma_wait3A_133 = tpu.memref_slice %arg6[%dma_wait3A] : memref<100096xf32, #tpu.memory_space<vmem>> -> memref<25088xf32, #tpu.memory_space<vmem>>
      %dma_wait3A_134 = arith.constant 0 : i32
      %dma_wait3A_135 = tpu.memref_slice %arg2[%select_n3A_116, %select_n3A_132, %dma_wait3A_134] : memref<26x32x100000xf32, #tpu.memory_space<hbm>> -> memref<1x1x25088xf32, #tpu.memory_space<hbm>>
      %dma_wait3A_136 = tpu.memref_squeeze %dma_wait3A_135 : memref<1x1x25088xf32, #tpu.memory_space<hbm>> -> memref<25088xf32, #tpu.memory_space<hbm>>
      %dma_wait3A_137 = arith.constant 0 : i32
      %dma_wait3A_138 = tpu.memref_slice %arg6[%dma_wait3A_137] : memref<100096xf32, #tpu.memory_space<vmem>> -> memref<25088xf32, #tpu.memory_space<vmem>>
      %dma_wait3A_139 = arith.constant 0 : i32
      %dma_wait3A_140 = tpu.memref_slice %arg2[%select_n3A_116, %select_n3A_132, %dma_wait3A_139] : memref<26x32x100000xf32, #tpu.memory_space<hbm>> -> memref<1x1x25088xf32, #tpu.memory_space<hbm>>
      %dma_wait3A_141 = tpu.memref_squeeze %dma_wait3A_140 : memref<1x1x25088xf32, #tpu.memory_space<hbm>> -> memref<25088xf32, #tpu.memory_space<hbm>>
      tpu.wait_dma2 semaphore(%arg9 : memref<!tpu.dma_semaphore, #tpu.memory_space<semaphore_mem>>) src(%dma_wait3A_141 : memref<25088xf32, #tpu.memory_space<hbm>>) dst(%dma_wait3A_138 : memref<25088xf32, #tpu.memory_space<vmem>>)
      %dma_wait3A_142 = arith.constant 25088 : i32
      %dma_wait3A_143 = tpu.memref_slice %arg6[%dma_wait3A_142] : memref<100096xf32, #tpu.memory_space<vmem>> -> memref<24960xf32, #tpu.memory_space<vmem>>
      %dma_wait3A_144 = arith.constant 25088 : i32
      %dma_wait3A_145 = tpu.memref_slice %arg2[%select_n3A_116, %select_n3A_132, %dma_wait3A_144] : memref<26x32x100000xf32, #tpu.memory_space<hbm>> -> memref<1x1x24960xf32, #tpu.memory_space<hbm>>
      %dma_wait3A_146 = tpu.memref_squeeze %dma_wait3A_145 : memref<1x1x24960xf32, #tpu.memory_space<hbm>> -> memref<24960xf32, #tpu.memory_space<hbm>>
      %dma_wait3A_147 = arith.constant 25088 : i32
      %dma_wait3A_148 = tpu.memref_slice %arg6[%dma_wait3A_147] : memref<100096xf32, #tpu.memory_space<vmem>> -> memref<24960xf32, #tpu.memory_space<vmem>>
      %dma_wait3A_149 = arith.constant 25088 : i32
      %dma_wait3A_150 = tpu.memref_slice %arg2[%select_n3A_116, %select_n3A_132, %dma_wait3A_149] : memref<26x32x100000xf32, #tpu.memory_space<hbm>> -> memref<1x1x24960xf32, #tpu.memory_space<hbm>>
      %dma_wait3A_151 = tpu.memref_squeeze %dma_wait3A_150 : memref<1x1x24960xf32, #tpu.memory_space<hbm>> -> memref<24960xf32, #tpu.memory_space<hbm>>
      tpu.wait_dma2 semaphore(%arg9 : memref<!tpu.dma_semaphore, #tpu.memory_space<semaphore_mem>>) src(%dma_wait3A_151 : memref<24960xf32, #tpu.memory_space<hbm>>) dst(%dma_wait3A_148 : memref<24960xf32, #tpu.memory_space<vmem>>)
      %dma_wait3A_152 = arith.constant 50048 : i32
      %dma_wait3A_153 = tpu.memref_slice %arg6[%dma_wait3A_152] : memref<100096xf32, #tpu.memory_space<vmem>> -> memref<24960xf32, #tpu.memory_space<vmem>>
      %dma_wait3A_154 = arith.constant 50048 : i32
      %dma_wait3A_155 = tpu.memref_slice %arg2[%select_n3A_116, %select_n3A_132, %dma_wait3A_154] : memref<26x32x100000xf32, #tpu.memory_space<hbm>> -> memref<1x1x24960xf32, #tpu.memory_space<hbm>>
      %dma_wait3A_156 = tpu.memref_squeeze %dma_wait3A_155 : memref<1x1x24960xf32, #tpu.memory_space<hbm>> -> memref<24960xf32, #tpu.memory_space<hbm>>
      %dma_wait3A_157 = arith.constant 50048 : i32
      %dma_wait3A_158 = tpu.memref_slice %arg6[%dma_wait3A_157] : memref<100096xf32, #tpu.memory_space<vmem>> -> memref<24960xf32, #tpu.memory_space<vmem>>
      %dma_wait3A_159 = arith.constant 50048 : i32
      %dma_wait3A_160 = tpu.memref_slice %arg2[%select_n3A_116, %select_n3A_132, %dma_wait3A_159] : memref<26x32x100000xf32, #tpu.memory_space<hbm>> -> memref<1x1x24960xf32, #tpu.memory_space<hbm>>
      %dma_wait3A_161 = tpu.memref_squeeze %dma_wait3A_160 : memref<1x1x24960xf32, #tpu.memory_space<hbm>> -> memref<24960xf32, #tpu.memory_space<hbm>>
      tpu.wait_dma2 semaphore(%arg9 : memref<!tpu.dma_semaphore, #tpu.memory_space<semaphore_mem>>) src(%dma_wait3A_161 : memref<24960xf32, #tpu.memory_space<hbm>>) dst(%dma_wait3A_158 : memref<24960xf32, #tpu.memory_space<vmem>>)
      %dma_wait3A_162 = arith.constant 75008 : i32
      %dma_wait3A_163 = tpu.memref_slice %arg6[%dma_wait3A_162] : memref<100096xf32, #tpu.memory_space<vmem>> -> memref<24960xf32, #tpu.memory_space<vmem>>
      %dma_wait3A_164 = arith.constant 75008 : i32
      %dma_wait3A_165 = tpu.memref_slice %arg2[%select_n3A_116, %select_n3A_132, %dma_wait3A_164] : memref<26x32x100000xf32, #tpu.memory_space<hbm>> -> memref<1x1x24960xf32, #tpu.memory_space<hbm>>
      %dma_wait3A_166 = tpu.memref_squeeze %dma_wait3A_165 : memref<1x1x24960xf32, #tpu.memory_space<hbm>> -> memref<24960xf32, #tpu.memory_space<hbm>>
      %dma_wait3A_167 = arith.constant 75008 : i32
      %dma_wait3A_168 = tpu.memref_slice %arg6[%dma_wait3A_167] : memref<100096xf32, #tpu.memory_space<vmem>> -> memref<24960xf32, #tpu.memory_space<vmem>>
      %dma_wait3A_169 = arith.constant 75008 : i32
      %dma_wait3A_170 = tpu.memref_slice %arg2[%select_n3A_116, %select_n3A_132, %dma_wait3A_169] : memref<26x32x100000xf32, #tpu.memory_space<hbm>> -> memref<1x1x24960xf32, #tpu.memory_space<hbm>>
      %dma_wait3A_171 = tpu.memref_squeeze %dma_wait3A_170 : memref<1x1x24960xf32, #tpu.memory_space<hbm>> -> memref<24960xf32, #tpu.memory_space<hbm>>
      tpu.wait_dma2 semaphore(%arg9 : memref<!tpu.dma_semaphore, #tpu.memory_space<semaphore_mem>>) src(%dma_wait3A_171 : memref<24960xf32, #tpu.memory_space<hbm>>) dst(%dma_wait3A_168 : memref<24960xf32, #tpu.memory_space<vmem>>)
      %dma_wait3A_172 = arith.constant 99968 : i32
      %dma_wait3A_173 = tpu.memref_slice %arg6[%dma_wait3A_172] : memref<100096xf32, #tpu.memory_space<vmem>> -> memref<128xf32, #tpu.memory_space<vmem>>
      %dma_wait3A_174 = arith.constant 0 : i32
      %dma_wait3A_175 = tpu.memref_slice %arg3[%select_n3A_116, %select_n3A_132, %dma_wait3A_174] : memref<26x32x128xf32, #tpu.memory_space<hbm>> -> memref<1x1x128xf32, #tpu.memory_space<hbm>>
      %dma_wait3A_176 = tpu.memref_squeeze %dma_wait3A_175 : memref<1x1x128xf32, #tpu.memory_space<hbm>> -> memref<128xf32, #tpu.memory_space<hbm>>
      %dma_wait3A_177 = arith.constant 99968 : i32
      %dma_wait3A_178 = tpu.memref_slice %arg6[%dma_wait3A_177] : memref<100096xf32, #tpu.memory_space<vmem>> -> memref<128xf32, #tpu.memory_space<vmem>>
      %dma_wait3A_179 = arith.constant 0 : i32
      %dma_wait3A_180 = tpu.memref_slice %arg3[%select_n3A_116, %select_n3A_132, %dma_wait3A_179] : memref<26x32x128xf32, #tpu.memory_space<hbm>> -> memref<1x1x128xf32, #tpu.memory_space<hbm>>
      %dma_wait3A_181 = tpu.memref_squeeze %dma_wait3A_180 : memref<1x1x128xf32, #tpu.memory_space<hbm>> -> memref<128xf32, #tpu.memory_space<hbm>>
      tpu.wait_dma2 semaphore(%arg9 : memref<!tpu.dma_semaphore, #tpu.memory_space<semaphore_mem>>) src(%dma_wait3A_181 : memref<128xf32, #tpu.memory_space<hbm>>) dst(%dma_wait3A_178 : memref<128xf32, #tpu.memory_space<vmem>>)
      %ne3A_182 = arith.cmpi ne, %select_n3A_116, %scan3A_89 : i32
      %convert_element_type3A = arith.extui %ne3A_182 : i1 to i32
      %cond3A = arith.constant 0 : i32
      %cond3A_183 = arith.cmpi ne, %convert_element_type3A, %cond3A : i32
      scf.if %cond3A_183 {
        "tpu.region"() ({
          %run_scoped3A = tpu.sem_alloc : memref<!tpu.dma_semaphore, #tpu.memory_space<semaphore_mem>>
          %dma_start3A_203 = arith.constant 0 : i32
          %dma_start3A_204 = tpu.memref_slice %arg4[%select_n3A_116, %dma_start3A_203] : memref<26x16384xi32, #tpu.memory_space<hbm>> -> memref<1x16384xi32, #tpu.memory_space<hbm>>
          %dma_start3A_205 = tpu.memref_squeeze %dma_start3A_204 : memref<1x16384xi32, #tpu.memory_space<hbm>> -> memref<16384xi32, #tpu.memory_space<hbm>>
          %dma_start3A_206 = arith.constant 0 : i32
          %dma_start3A_207 = tpu.memref_slice %arg4[%select_n3A_116, %dma_start3A_206] : memref<26x16384xi32, #tpu.memory_space<hbm>> -> memref<1x16384xi32, #tpu.memory_space<hbm>>
          %dma_start3A_208 = tpu.memref_squeeze %dma_start3A_207 : memref<1x16384xi32, #tpu.memory_space<hbm>> -> memref<16384xi32, #tpu.memory_space<hbm>>
          tpu.enqueue_dma source(%dma_start3A_208 : memref<16384xi32, #tpu.memory_space<hbm>>) target(%arg7 : memref<16384xi32, #tpu.memory_space<vmem>>) target_semaphore(%run_scoped3A : memref<!tpu.dma_semaphore, #tpu.memory_space<semaphore_mem>>)
          %dma_wait3A_209 = arith.constant 0 : i32
          %dma_wait3A_210 = tpu.memref_slice %arg4[%select_n3A_116, %dma_wait3A_209] : memref<26x16384xi32, #tpu.memory_space<hbm>> -> memref<1x16384xi32, #tpu.memory_space<hbm>>
          %dma_wait3A_211 = tpu.memref_squeeze %dma_wait3A_210 : memref<1x16384xi32, #tpu.memory_space<hbm>> -> memref<16384xi32, #tpu.memory_space<hbm>>
          %dma_wait3A_212 = arith.constant 0 : i32
          %dma_wait3A_213 = tpu.memref_slice %arg4[%select_n3A_116, %dma_wait3A_212] : memref<26x16384xi32, #tpu.memory_space<hbm>> -> memref<1x16384xi32, #tpu.memory_space<hbm>>
          %dma_wait3A_214 = tpu.memref_squeeze %dma_wait3A_213 : memref<1x16384xi32, #tpu.memory_space<hbm>> -> memref<16384xi32, #tpu.memory_space<hbm>>
          tpu.wait_dma2 semaphore(%run_scoped3A : memref<!tpu.dma_semaphore, #tpu.memory_space<semaphore_mem>>) src(%dma_wait3A_214 : memref<16384xi32, #tpu.memory_space<hbm>>) dst(%arg7 : memref<16384xi32, #tpu.memory_space<vmem>>)
          tpu.yield
        }) : () -> ()
      } else {
      }
      %scan3A_184 = arith.constant 0 : i32
      %scan3A_185 = arith.constant 0 : i32
      %scan3A_186 = arith.constant 64 : i32
      %scan3A_187 = arith.addi %scan3A_185, %scan3A_186 : i32
      %scan3A_188 = arith.constant 1 : i32
      scf.for %scan3A_203 = %scan3A_185 to %scan3A_187 step %scan3A_188  : i32 {
        %mul3A_204 = arith.constant 128 : i32
        %mul3A_205 = arith.muli %scan3A_203, %mul3A_204 : i32
        %add3A_206 = arith.constant 0 : i32
        %add3A_207 = arith.addi %mul3A_205, %add3A_206 : i32
        %add3A_208 = arith.constant 0 : i32
        %add3A_209 = arith.addi %add3A_208, %add3A_207 : i32
        %get3A = arith.index_cast %add3A_209 : i32 to index
        %get3A_210 = tpu.vector_load %arg7[%get3A] {strides = array<i32>} : memref<16384xi32, #tpu.memory_space<vmem>>, vector<16xi32>,
        %gather3A = tpu.vector_load_idx %arg6[%get3A_210] : memref<100096xf32, #tpu.memory_space<vmem>>[vector<16xi32>], vector<16xf32>,
        %swap3A = arith.index_cast %add3A_207 : i32 to index
        %swap3A_211 = tpu.vector_load %arg8[%swap3A] {strides = array<i32>} : memref<8192xf32, #tpu.memory_space<vmem>>, vector<16xf32>,
        tpu.vector_store %arg8[%swap3A], %gather3A {strides = array<i32>} : memref<8192xf32, #tpu.memory_space<vmem>>, vector<16xf32>,
        %add3A_212 = arith.constant 16 : i32
        %add3A_213 = arith.addi %mul3A_205, %add3A_212 : i32
        %add3A_214 = arith.constant 0 : i32
        %add3A_215 = arith.addi %add3A_214, %add3A_213 : i32
        %get3A_216 = arith.index_cast %add3A_215 : i32 to index
        %get3A_217 = tpu.vector_load %arg7[%get3A_216] {strides = array<i32>} : memref<16384xi32, #tpu.memory_space<vmem>>, vector<16xi32>,
        %gather3A_218 = tpu.vector_load_idx %arg6[%get3A_217] : memref<100096xf32, #tpu.memory_space<vmem>>[vector<16xi32>], vector<16xf32>,
        %swap3A_219 = arith.index_cast %add3A_213 : i32 to index
        %swap3A_220 = tpu.vector_load %arg8[%swap3A_219] {strides = array<i32>} : memref<8192xf32, #tpu.memory_space<vmem>>, vector<16xf32>,
        tpu.vector_store %arg8[%swap3A_219], %gather3A_218 {strides = array<i32>} : memref<8192xf32, #tpu.memory_space<vmem>>, vector<16xf32>,
        %add3A_221 = arith.constant 32 : i32
        %add3A_222 = arith.addi %mul3A_205, %add3A_221 : i32
        %add3A_223 = arith.constant 0 : i32
        %add3A_224 = arith.addi %add3A_223, %add3A_222 : i32
        %get3A_225 = arith.index_cast %add3A_224 : i32 to index
        %get3A_226 = tpu.vector_load %arg7[%get3A_225] {strides = array<i32>} : memref<16384xi32, #tpu.memory_space<vmem>>, vector<16xi32>,
        %gather3A_227 = tpu.vector_load_idx %arg6[%get3A_226] : memref<100096xf32, #tpu.memory_space<vmem>>[vector<16xi32>], vector<16xf32>,
        %swap3A_228 = arith.index_cast %add3A_222 : i32 to index
        %swap3A_229 = tpu.vector_load %arg8[%swap3A_228] {strides = array<i32>} : memref<8192xf32, #tpu.memory_space<vmem>>, vector<16xf32>,
        tpu.vector_store %arg8[%swap3A_228], %gather3A_227 {strides = array<i32>} : memref<8192xf32, #tpu.memory_space<vmem>>, vector<16xf32>,
        %add3A_230 = arith.constant 48 : i32
        %add3A_231 = arith.addi %mul3A_205, %add3A_230 : i32
        %add3A_232 = arith.constant 0 : i32
        %add3A_233 = arith.addi %add3A_232, %add3A_231 : i32
        %get3A_234 = arith.index_cast %add3A_233 : i32 to index
        %get3A_235 = tpu.vector_load %arg7[%get3A_234] {strides = array<i32>} : memref<16384xi32, #tpu.memory_space<vmem>>, vector<16xi32>,
        %gather3A_236 = tpu.vector_load_idx %arg6[%get3A_235] : memref<100096xf32, #tpu.memory_space<vmem>>[vector<16xi32>], vector<16xf32>,
        %swap3A_237 = arith.index_cast %add3A_231 : i32 to index
        %swap3A_238 = tpu.vector_load %arg8[%swap3A_237] {strides = array<i32>} : memref<8192xf32, #tpu.memory_space<vmem>>, vector<16xf32>,
        tpu.vector_store %arg8[%swap3A_237], %gather3A_236 {strides = array<i32>} : memref<8192xf32, #tpu.memory_space<vmem>>, vector<16xf32>,
        %add3A_239 = arith.constant 64 : i32
        %add3A_240 = arith.addi %mul3A_205, %add3A_239 : i32
        %add3A_241 = arith.constant 0 : i32
        %add3A_242 = arith.addi %add3A_241, %add3A_240 : i32
        %get3A_243 = arith.index_cast %add3A_242 : i32 to index
        %get3A_244 = tpu.vector_load %arg7[%get3A_243] {strides = array<i32>} : memref<16384xi32, #tpu.memory_space<vmem>>, vector<16xi32>,
        %gather3A_245 = tpu.vector_load_idx %arg6[%get3A_244] : memref<100096xf32, #tpu.memory_space<vmem>>[vector<16xi32>], vector<16xf32>,
        %swap3A_246 = arith.index_cast %add3A_240 : i32 to index
        %swap3A_247 = tpu.vector_load %arg8[%swap3A_246] {strides = array<i32>} : memref<8192xf32, #tpu.memory_space<vmem>>, vector<16xf32>,
        tpu.vector_store %arg8[%swap3A_246], %gather3A_245 {strides = array<i32>} : memref<8192xf32, #tpu.memory_space<vmem>>, vector<16xf32>,
        %add3A_248 = arith.constant 80 : i32
        %add3A_249 = arith.addi %mul3A_205, %add3A_248 : i32
        %add3A_250 = arith.constant 0 : i32
        %add3A_251 = arith.addi %add3A_250, %add3A_249 : i32
        %get3A_252 = arith.index_cast %add3A_251 : i32 to index
        %get3A_253 = tpu.vector_load %arg7[%get3A_252] {strides = array<i32>} : memref<16384xi32, #tpu.memory_space<vmem>>, vector<16xi32>,
        %gather3A_254 = tpu.vector_load_idx %arg6[%get3A_253] : memref<100096xf32, #tpu.memory_space<vmem>>[vector<16xi32>], vector<16xf32>,
        %swap3A_255 = arith.index_cast %add3A_249 : i32 to index
        %swap3A_256 = tpu.vector_load %arg8[%swap3A_255] {strides = array<i32>} : memref<8192xf32, #tpu.memory_space<vmem>>, vector<16xf32>,
        tpu.vector_store %arg8[%swap3A_255], %gather3A_254 {strides = array<i32>} : memref<8192xf32, #tpu.memory_space<vmem>>, vector<16xf32>,
        %add3A_257 = arith.constant 96 : i32
        %add3A_258 = arith.addi %mul3A_205, %add3A_257 : i32
        %add3A_259 = arith.constant 0 : i32
        %add3A_260 = arith.addi %add3A_259, %add3A_258 : i32
        %get3A_261 = arith.index_cast %add3A_260 : i32 to index
        %get3A_262 = tpu.vector_load %arg7[%get3A_261] {strides = array<i32>} : memref<16384xi32, #tpu.memory_space<vmem>>, vector<16xi32>,
        %gather3A_263 = tpu.vector_load_idx %arg6[%get3A_262] : memref<100096xf32, #tpu.memory_space<vmem>>[vector<16xi32>], vector<16xf32>,
        %swap3A_264 = arith.index_cast %add3A_258 : i32 to index
        %swap3A_265 = tpu.vector_load %arg8[%swap3A_264] {strides = array<i32>} : memref<8192xf32, #tpu.memory_space<vmem>>, vector<16xf32>,
        tpu.vector_store %arg8[%swap3A_264], %gather3A_263 {strides = array<i32>} : memref<8192xf32, #tpu.memory_space<vmem>>, vector<16xf32>,
        %add3A_266 = arith.constant 112 : i32
        %add3A_267 = arith.addi %mul3A_205, %add3A_266 : i32
        %add3A_268 = arith.constant 0 : i32
        %add3A_269 = arith.addi %add3A_268, %add3A_267 : i32
        %get3A_270 = arith.index_cast %add3A_269 : i32 to index
        %get3A_271 = tpu.vector_load %arg7[%get3A_270] {strides = array<i32>} : memref<16384xi32, #tpu.memory_space<vmem>>, vector<16xi32>,
        %gather3A_272 = tpu.vector_load_idx %arg6[%get3A_271] : memref<100096xf32, #tpu.memory_space<vmem>>[vector<16xi32>], vector<16xf32>,
        %swap3A_273 = arith.index_cast %add3A_267 : i32 to index
        %swap3A_274 = tpu.vector_load %arg8[%swap3A_273] {strides = array<i32>} : memref<8192xf32, #tpu.memory_space<vmem>>, vector<16xf32>,
        tpu.vector_store %arg8[%swap3A_273], %gather3A_272 {strides = array<i32>} : memref<8192xf32, #tpu.memory_space<vmem>>, vector<16xf32>,
      }
      %scan3A_189 = arith.constant 64 : i32
      "tpu.region"() ({
        %run_scoped3A = tpu.sem_alloc : memref<!tpu.dma_semaphore, #tpu.memory_space<semaphore_mem>>
        %dma_start3A_203 = arith.constant 0 : i32
        %dma_start3A_204 = tpu.memref_slice %arg5[%add3A_92, %dma_start3A_203] : memref<832x16384xf32, #tpu.memory_space<hbm>> -> memref<1x8192xf32, #tpu.memory_space<hbm>>
        %dma_start3A_205 = tpu.memref_squeeze %dma_start3A_204 : memref<1x8192xf32, #tpu.memory_space<hbm>> -> memref<8192xf32, #tpu.memory_space<hbm>>
        %dma_start3A_206 = arith.constant 0 : i32
        %dma_start3A_207 = tpu.memref_slice %arg5[%add3A_92, %dma_start3A_206] : memref<832x16384xf32, #tpu.memory_space<hbm>> -> memref<1x8192xf32, #tpu.memory_space<hbm>>
        %dma_start3A_208 = tpu.memref_squeeze %dma_start3A_207 : memref<1x8192xf32, #tpu.memory_space<hbm>> -> memref<8192xf32, #tpu.memory_space<hbm>>
        tpu.enqueue_dma source(%arg8 : memref<8192xf32, #tpu.memory_space<vmem>>) target(%dma_start3A_208 : memref<8192xf32, #tpu.memory_space<hbm>>) target_semaphore(%run_scoped3A : memref<!tpu.dma_semaphore, #tpu.memory_space<semaphore_mem>>)
        %dma_wait3A_209 = arith.constant 0 : i32
        %dma_wait3A_210 = tpu.memref_slice %arg5[%add3A_92, %dma_wait3A_209] : memref<832x16384xf32, #tpu.memory_space<hbm>> -> memref<1x8192xf32, #tpu.memory_space<hbm>>
        %dma_wait3A_211 = tpu.memref_squeeze %dma_wait3A_210 : memref<1x8192xf32, #tpu.memory_space<hbm>> -> memref<8192xf32, #tpu.memory_space<hbm>>
        %dma_wait3A_212 = arith.constant 0 : i32
        %dma_wait3A_213 = tpu.memref_slice %arg5[%add3A_92, %dma_wait3A_212] : memref<832x16384xf32, #tpu.memory_space<hbm>> -> memref<1x8192xf32, #tpu.memory_space<hbm>>
        %dma_wait3A_214 = tpu.memref_squeeze %dma_wait3A_213 : memref<1x8192xf32, #tpu.memory_space<hbm>> -> memref<8192xf32, #tpu.memory_space<hbm>>
        tpu.wait_dma2 semaphore(%run_scoped3A : memref<!tpu.dma_semaphore, #tpu.memory_space<semaphore_mem>>) src(%arg8 : memref<8192xf32, #tpu.memory_space<vmem>>) dst(%dma_wait3A_214 : memref<8192xf32, #tpu.memory_space<hbm>>)
        tpu.yield
      }) : () -> ()
      %scan3A_190 = arith.constant 0 : i32
      %scan3A_191 = arith.constant 0 : i32
      %scan3A_192 = arith.constant 64 : i32
      %scan3A_193 = arith.addi %scan3A_191, %scan3A_192 : i32
      %scan3A_194 = arith.constant 1 : i32
      scf.for %scan3A_203 = %scan3A_191 to %scan3A_193 step %scan3A_194  : i32 {
        %mul3A_204 = arith.constant 128 : i32
        %mul3A_205 = arith.muli %scan3A_203, %mul3A_204 : i32
        %add3A_206 = arith.constant 0 : i32
        %add3A_207 = arith.addi %mul3A_205, %add3A_206 : i32
        %add3A_208 = arith.constant 8192 : i32
        %add3A_209 = arith.addi %add3A_208, %add3A_207 : i32
        %get3A = arith.index_cast %add3A_209 : i32 to index
        %get3A_210 = tpu.vector_load %arg7[%get3A] {strides = array<i32>} : memref<16384xi32, #tpu.memory_space<vmem>>, vector<16xi32>,
        %gather3A = tpu.vector_load_idx %arg6[%get3A_210] : memref<100096xf32, #tpu.memory_space<vmem>>[vector<16xi32>], vector<16xf32>,
        %swap3A = arith.index_cast %add3A_207 : i32 to index
        %swap3A_211 = tpu.vector_load %arg8[%swap3A] {strides = array<i32>} : memref<8192xf32, #tpu.memory_space<vmem>>, vector<16xf32>,
        tpu.vector_store %arg8[%swap3A], %gather3A {strides = array<i32>} : memref<8192xf32, #tpu.memory_space<vmem>>, vector<16xf32>,
        %add3A_212 = arith.constant 16 : i32
        %add3A_213 = arith.addi %mul3A_205, %add3A_212 : i32
        %add3A_214 = arith.constant 8192 : i32
        %add3A_215 = arith.addi %add3A_214, %add3A_213 : i32
        %get3A_216 = arith.index_cast %add3A_215 : i32 to index
        %get3A_217 = tpu.vector_load %arg7[%get3A_216] {strides = array<i32>} : memref<16384xi32, #tpu.memory_space<vmem>>, vector<16xi32>,
        %gather3A_218 = tpu.vector_load_idx %arg6[%get3A_217] : memref<100096xf32, #tpu.memory_space<vmem>>[vector<16xi32>], vector<16xf32>,
        %swap3A_219 = arith.index_cast %add3A_213 : i32 to index
        %swap3A_220 = tpu.vector_load %arg8[%swap3A_219] {strides = array<i32>} : memref<8192xf32, #tpu.memory_space<vmem>>, vector<16xf32>,
        tpu.vector_store %arg8[%swap3A_219], %gather3A_218 {strides = array<i32>} : memref<8192xf32, #tpu.memory_space<vmem>>, vector<16xf32>,
        %add3A_221 = arith.constant 32 : i32
        %add3A_222 = arith.addi %mul3A_205, %add3A_221 : i32
        %add3A_223 = arith.constant 8192 : i32
        %add3A_224 = arith.addi %add3A_223, %add3A_222 : i32
        %get3A_225 = arith.index_cast %add3A_224 : i32 to index
        %get3A_226 = tpu.vector_load %arg7[%get3A_225] {strides = array<i32>} : memref<16384xi32, #tpu.memory_space<vmem>>, vector<16xi32>,
        %gather3A_227 = tpu.vector_load_idx %arg6[%get3A_226] : memref<100096xf32, #tpu.memory_space<vmem>>[vector<16xi32>], vector<16xf32>,
        %swap3A_228 = arith.index_cast %add3A_222 : i32 to index
        %swap3A_229 = tpu.vector_load %arg8[%swap3A_228] {strides = array<i32>} : memref<8192xf32, #tpu.memory_space<vmem>>, vector<16xf32>,
        tpu.vector_store %arg8[%swap3A_228], %gather3A_227 {strides = array<i32>} : memref<8192xf32, #tpu.memory_space<vmem>>, vector<16xf32>,
        %add3A_230 = arith.constant 48 : i32
        %add3A_231 = arith.addi %mul3A_205, %add3A_230 : i32
        %add3A_232 = arith.constant 8192 : i32
        %add3A_233 = arith.addi %add3A_232, %add3A_231 : i32
        %get3A_234 = arith.index_cast %add3A_233 : i32 to index
        %get3A_235 = tpu.vector_load %arg7[%get3A_234] {strides = array<i32>} : memref<16384xi32, #tpu.memory_space<vmem>>, vector<16xi32>,
        %gather3A_236 = tpu.vector_load_idx %arg6[%get3A_235] : memref<100096xf32, #tpu.memory_space<vmem>>[vector<16xi32>], vector<16xf32>,
        %swap3A_237 = arith.index_cast %add3A_231 : i32 to index
        %swap3A_238 = tpu.vector_load %arg8[%swap3A_237] {strides = array<i32>} : memref<8192xf32, #tpu.memory_space<vmem>>, vector<16xf32>,
        tpu.vector_store %arg8[%swap3A_237], %gather3A_236 {strides = array<i32>} : memref<8192xf32, #tpu.memory_space<vmem>>, vector<16xf32>,
        %add3A_239 = arith.constant 64 : i32
        %add3A_240 = arith.addi %mul3A_205, %add3A_239 : i32
        %add3A_241 = arith.constant 8192 : i32
        %add3A_242 = arith.addi %add3A_241, %add3A_240 : i32
        %get3A_243 = arith.index_cast %add3A_242 : i32 to index
        %get3A_244 = tpu.vector_load %arg7[%get3A_243] {strides = array<i32>} : memref<16384xi32, #tpu.memory_space<vmem>>, vector<16xi32>,
        %gather3A_245 = tpu.vector_load_idx %arg6[%get3A_244] : memref<100096xf32, #tpu.memory_space<vmem>>[vector<16xi32>], vector<16xf32>,
        %swap3A_246 = arith.index_cast %add3A_240 : i32 to index
        %swap3A_247 = tpu.vector_load %arg8[%swap3A_246] {strides = array<i32>} : memref<8192xf32, #tpu.memory_space<vmem>>, vector<16xf32>,
        tpu.vector_store %arg8[%swap3A_246], %gather3A_245 {strides = array<i32>} : memref<8192xf32, #tpu.memory_space<vmem>>, vector<16xf32>,
        %add3A_248 = arith.constant 80 : i32
        %add3A_249 = arith.addi %mul3A_205, %add3A_248 : i32
        %add3A_250 = arith.constant 8192 : i32
        %add3A_251 = arith.addi %add3A_250, %add3A_249 : i32
        %get3A_252 = arith.index_cast %add3A_251 : i32 to index
        %get3A_253 = tpu.vector_load %arg7[%get3A_252] {strides = array<i32>} : memref<16384xi32, #tpu.memory_space<vmem>>, vector<16xi32>,
        %gather3A_254 = tpu.vector_load_idx %arg6[%get3A_253] : memref<100096xf32, #tpu.memory_space<vmem>>[vector<16xi32>], vector<16xf32>,
        %swap3A_255 = arith.index_cast %add3A_249 : i32 to index
        %swap3A_256 = tpu.vector_load %arg8[%swap3A_255] {strides = array<i32>} : memref<8192xf32, #tpu.memory_space<vmem>>, vector<16xf32>,
        tpu.vector_store %arg8[%swap3A_255], %gather3A_254 {strides = array<i32>} : memref<8192xf32, #tpu.memory_space<vmem>>, vector<16xf32>,
        %add3A_257 = arith.constant 96 : i32
        %add3A_258 = arith.addi %mul3A_205, %add3A_257 : i32
        %add3A_259 = arith.constant 8192 : i32
        %add3A_260 = arith.addi %add3A_259, %add3A_258 : i32
        %get3A_261 = arith.index_cast %add3A_260 : i32 to index
        %get3A_262 = tpu.vector_load %arg7[%get3A_261] {strides = array<i32>} : memref<16384xi32, #tpu.memory_space<vmem>>, vector<16xi32>,
        %gather3A_263 = tpu.vector_load_idx %arg6[%get3A_262] : memref<100096xf32, #tpu.memory_space<vmem>>[vector<16xi32>], vector<16xf32>,
        %swap3A_264 = arith.index_cast %add3A_258 : i32 to index
        %swap3A_265 = tpu.vector_load %arg8[%swap3A_264] {strides = array<i32>} : memref<8192xf32, #tpu.memory_space<vmem>>, vector<16xf32>,
        tpu.vector_store %arg8[%swap3A_264], %gather3A_263 {strides = array<i32>} : memref<8192xf32, #tpu.memory_space<vmem>>, vector<16xf32>,
        %add3A_266 = arith.constant 112 : i32
        %add3A_267 = arith.addi %mul3A_205, %add3A_266 : i32
        %add3A_268 = arith.constant 8192 : i32
        %add3A_269 = arith.addi %add3A_268, %add3A_267 : i32
        %get3A_270 = arith.index_cast %add3A_269 : i32 to index
        %get3A_271 = tpu.vector_load %arg7[%get3A_270] {strides = array<i32>} : memref<16384xi32, #tpu.memory_space<vmem>>, vector<16xi32>,
        %gather3A_272 = tpu.vector_load_idx %arg6[%get3A_271] : memref<100096xf32, #tpu.memory_space<vmem>>[vector<16xi32>], vector<16xf32>,
        %swap3A_273 = arith.index_cast %add3A_267 : i32 to index
        %swap3A_274 = tpu.vector_load %arg8[%swap3A_273] {strides = array<i32>} : memref<8192xf32, #tpu.memory_space<vmem>>, vector<16xf32>,
        tpu.vector_store %arg8[%swap3A_273], %gather3A_272 {strides = array<i32>} : memref<8192xf32, #tpu.memory_space<vmem>>, vector<16xf32>,
      }
      %scan3A_195 = arith.constant 64 : i32
      %add3A_196 = arith.constant 1 : i32
      %add3A_197 = arith.addi %scan3A_88, %add3A_196 : i32
      %lt3A_198 = arith.constant 26 : i32
      %lt3A_199 = arith.cmpi slt, %add3A_197, %lt3A_198 : i32
      %convert_element_type3A_200 = arith.extui %lt3A_199 : i1 to i32
      %cond3A_201 = arith.constant 0 : i32
      %cond3A_202 = arith.cmpi ne, %convert_element_type3A_200, %cond3A_201 : i32
      scf.if %cond3A_202 {
        %add3A_203 = arith.constant 1 : i32
        %add3A_204 = arith.addi %add3A_92, %add3A_203 : i32
        %jit3A_205 = arith.constant 32 : i32
        %div3A_206 = arith.divsi %add3A_204, %jit3A_205 : i32
        %sign3A_207 = arith.constant 0 : i32
        %sign3A_208 = arith.cmpi sgt, %add3A_204, %sign3A_207 : i32
        %sign3A_209 = arith.extui %sign3A_208 : i1 to i32
        %sign3A_210 = arith.constant 0 : i32
        %sign3A_211 = arith.cmpi slt, %add3A_204, %sign3A_210 : i32
        %sign3A_212 = arith.extui %sign3A_211 : i1 to i32
        %sign3A_213 = arith.subi %sign3A_209, %sign3A_212 : i32
        %sign3A_214 = arith.constant 0 : i32
        %sign3A_215 = arith.cmpi sgt, %jit3A_205, %sign3A_214 : i32
        %sign3A_216 = arith.extui %sign3A_215 : i1 to i32
        %sign3A_217 = arith.constant 0 : i32
        %sign3A_218 = arith.cmpi slt, %jit3A_205, %sign3A_217 : i32
        %sign3A_219 = arith.extui %sign3A_218 : i1 to i32
        %sign3A_220 = arith.subi %sign3A_216, %sign3A_219 : i32
        %ne3A_221 = arith.cmpi ne, %sign3A_213, %sign3A_220 : i32
        %rem3A_222 = arith.remsi %add3A_204, %jit3A_205 : i32
        %ne3A_223 = arith.constant 0 : i32
        %ne3A_224 = arith.cmpi ne, %rem3A_222, %ne3A_223 : i32
        %and3A_225 = arith.andi %ne3A_221, %ne3A_224 : i1
        %sub3A_226 = arith.constant 1 : i32
        %sub3A_227 = arith.subi %div3A_206, %sub3A_226 : i32
        %select_n3A_228 = arith.select %and3A_225, %sub3A_227, %div3A_206 : i32
        %jit3A_229 = arith.constant 32 : i32
        %eq3A_230 = arith.constant 0 : i32
        %eq3A_231 = arith.cmpi eq, %jit3A_229, %eq3A_230 : i32
        %jit3A_232 = arith.constant 1 : i32
        %select_n3A_233 = arith.select %eq3A_231, %jit3A_232, %jit3A_229 : i32
        %rem3A_234 = arith.remsi %add3A_204, %select_n3A_233 : i32
        %ne3A_235 = arith.constant 0 : i32
        %ne3A_236 = arith.cmpi ne, %rem3A_234, %ne3A_235 : i32
        %lt3A_237 = arith.constant 0 : i32
        %lt3A_238 = arith.cmpi slt, %rem3A_234, %lt3A_237 : i32
        %lt3A_239 = arith.constant 0 : i32
        %lt3A_240 = arith.cmpi slt, %select_n3A_233, %lt3A_239 : i32
        %ne3A_241 = arith.xori %lt3A_238, %lt3A_240 : i1
        %and3A_242 = arith.andi %ne3A_241, %ne3A_236 : i1
        %add3A_243 = arith.addi %rem3A_234, %select_n3A_233 : i32
        %select_n3A_244 = arith.select %and3A_242, %add3A_243, %rem3A_234 : i32
        %dma_start3A_245 = arith.constant 0 : i32
        %dma_start3A_246 = tpu.memref_slice %arg6[%dma_start3A_245] : memref<100096xf32, #tpu.memory_space<vmem>> -> memref<25088xf32, #tpu.memory_space<vmem>>
        %dma_start3A_247 = arith.constant 0 : i32
        %dma_start3A_248 = tpu.memref_slice %arg2[%select_n3A_228, %select_n3A_244, %dma_start3A_247] : memref<26x32x100000xf32, #tpu.memory_space<hbm>> -> memref<1x1x25088xf32, #tpu.memory_space<hbm>>
        %dma_start3A_249 = tpu.memref_squeeze %dma_start3A_248 : memref<1x1x25088xf32, #tpu.memory_space<hbm>> -> memref<25088xf32, #tpu.memory_space<hbm>>
        %dma_start3A_250 = arith.constant 0 : i32
        %dma_start3A_251 = tpu.memref_slice %arg6[%dma_start3A_250] : memref<100096xf32, #tpu.memory_space<vmem>> -> memref<25088xf32, #tpu.memory_space<vmem>>
        %dma_start3A_252 = arith.constant 0 : i32
        %dma_start3A_253 = tpu.memref_slice %arg2[%select_n3A_228, %select_n3A_244, %dma_start3A_252] : memref<26x32x100000xf32, #tpu.memory_space<hbm>> -> memref<1x1x25088xf32, #tpu.memory_space<hbm>>
        %dma_start3A_254 = tpu.memref_squeeze %dma_start3A_253 : memref<1x1x25088xf32, #tpu.memory_space<hbm>> -> memref<25088xf32, #tpu.memory_space<hbm>>
        tpu.enqueue_dma source(%dma_start3A_254 : memref<25088xf32, #tpu.memory_space<hbm>>) target(%dma_start3A_251 : memref<25088xf32, #tpu.memory_space<vmem>>) target_semaphore(%arg9 : memref<!tpu.dma_semaphore, #tpu.memory_space<semaphore_mem>>)
        %dma_start3A_255 = arith.constant 25088 : i32
        %dma_start3A_256 = tpu.memref_slice %arg6[%dma_start3A_255] : memref<100096xf32, #tpu.memory_space<vmem>> -> memref<24960xf32, #tpu.memory_space<vmem>>
        %dma_start3A_257 = arith.constant 25088 : i32
        %dma_start3A_258 = tpu.memref_slice %arg2[%select_n3A_228, %select_n3A_244, %dma_start3A_257] : memref<26x32x100000xf32, #tpu.memory_space<hbm>> -> memref<1x1x24960xf32, #tpu.memory_space<hbm>>
        %dma_start3A_259 = tpu.memref_squeeze %dma_start3A_258 : memref<1x1x24960xf32, #tpu.memory_space<hbm>> -> memref<24960xf32, #tpu.memory_space<hbm>>
        %dma_start3A_260 = arith.constant 25088 : i32
        %dma_start3A_261 = tpu.memref_slice %arg6[%dma_start3A_260] : memref<100096xf32, #tpu.memory_space<vmem>> -> memref<24960xf32, #tpu.memory_space<vmem>>
        %dma_start3A_262 = arith.constant 25088 : i32
        %dma_start3A_263 = tpu.memref_slice %arg2[%select_n3A_228, %select_n3A_244, %dma_start3A_262] : memref<26x32x100000xf32, #tpu.memory_space<hbm>> -> memref<1x1x24960xf32, #tpu.memory_space<hbm>>
        %dma_start3A_264 = tpu.memref_squeeze %dma_start3A_263 : memref<1x1x24960xf32, #tpu.memory_space<hbm>> -> memref<24960xf32, #tpu.memory_space<hbm>>
        tpu.enqueue_dma source(%dma_start3A_264 : memref<24960xf32, #tpu.memory_space<hbm>>) target(%dma_start3A_261 : memref<24960xf32, #tpu.memory_space<vmem>>) target_semaphore(%arg9 : memref<!tpu.dma_semaphore, #tpu.memory_space<semaphore_mem>>)
        %dma_start3A_265 = arith.constant 50048 : i32
        %dma_start3A_266 = tpu.memref_slice %arg6[%dma_start3A_265] : memref<100096xf32, #tpu.memory_space<vmem>> -> memref<24960xf32, #tpu.memory_space<vmem>>
        %dma_start3A_267 = arith.constant 50048 : i32
        %dma_start3A_268 = tpu.memref_slice %arg2[%select_n3A_228, %select_n3A_244, %dma_start3A_267] : memref<26x32x100000xf32, #tpu.memory_space<hbm>> -> memref<1x1x24960xf32, #tpu.memory_space<hbm>>
        %dma_start3A_269 = tpu.memref_squeeze %dma_start3A_268 : memref<1x1x24960xf32, #tpu.memory_space<hbm>> -> memref<24960xf32, #tpu.memory_space<hbm>>
        %dma_start3A_270 = arith.constant 50048 : i32
        %dma_start3A_271 = tpu.memref_slice %arg6[%dma_start3A_270] : memref<100096xf32, #tpu.memory_space<vmem>> -> memref<24960xf32, #tpu.memory_space<vmem>>
        %dma_start3A_272 = arith.constant 50048 : i32
        %dma_start3A_273 = tpu.memref_slice %arg2[%select_n3A_228, %select_n3A_244, %dma_start3A_272] : memref<26x32x100000xf32, #tpu.memory_space<hbm>> -> memref<1x1x24960xf32, #tpu.memory_space<hbm>>
        %dma_start3A_274 = tpu.memref_squeeze %dma_start3A_273 : memref<1x1x24960xf32, #tpu.memory_space<hbm>> -> memref<24960xf32, #tpu.memory_space<hbm>>
        tpu.enqueue_dma source(%dma_start3A_274 : memref<24960xf32, #tpu.memory_space<hbm>>) target(%dma_start3A_271 : memref<24960xf32, #tpu.memory_space<vmem>>) target_semaphore(%arg9 : memref<!tpu.dma_semaphore, #tpu.memory_space<semaphore_mem>>)
        %dma_start3A_275 = arith.constant 75008 : i32
        %dma_start3A_276 = tpu.memref_slice %arg6[%dma_start3A_275] : memref<100096xf32, #tpu.memory_space<vmem>> -> memref<24960xf32, #tpu.memory_space<vmem>>
        %dma_start3A_277 = arith.constant 75008 : i32
        %dma_start3A_278 = tpu.memref_slice %arg2[%select_n3A_228, %select_n3A_244, %dma_start3A_277] : memref<26x32x100000xf32, #tpu.memory_space<hbm>> -> memref<1x1x24960xf32, #tpu.memory_space<hbm>>
        %dma_start3A_279 = tpu.memref_squeeze %dma_start3A_278 : memref<1x1x24960xf32, #tpu.memory_space<hbm>> -> memref<24960xf32, #tpu.memory_space<hbm>>
        %dma_start3A_280 = arith.constant 75008 : i32
        %dma_start3A_281 = tpu.memref_slice %arg6[%dma_start3A_280] : memref<100096xf32, #tpu.memory_space<vmem>> -> memref<24960xf32, #tpu.memory_space<vmem>>
        %dma_start3A_282 = arith.constant 75008 : i32
        %dma_start3A_283 = tpu.memref_slice %arg2[%select_n3A_228, %select_n3A_244, %dma_start3A_282] : memref<26x32x100000xf32, #tpu.memory_space<hbm>> -> memref<1x1x24960xf32, #tpu.memory_space<hbm>>
        %dma_start3A_284 = tpu.memref_squeeze %dma_start3A_283 : memref<1x1x24960xf32, #tpu.memory_space<hbm>> -> memref<24960xf32, #tpu.memory_space<hbm>>
        tpu.enqueue_dma source(%dma_start3A_284 : memref<24960xf32, #tpu.memory_space<hbm>>) target(%dma_start3A_281 : memref<24960xf32, #tpu.memory_space<vmem>>) target_semaphore(%arg9 : memref<!tpu.dma_semaphore, #tpu.memory_space<semaphore_mem>>)
        %dma_start3A_285 = arith.constant 99968 : i32
        %dma_start3A_286 = tpu.memref_slice %arg6[%dma_start3A_285] : memref<100096xf32, #tpu.memory_space<vmem>> -> memref<128xf32, #tpu.memory_space<vmem>>
        %dma_start3A_287 = arith.constant 0 : i32
        %dma_start3A_288 = tpu.memref_slice %arg3[%select_n3A_228, %select_n3A_244, %dma_start3A_287] : memref<26x32x128xf32, #tpu.memory_space<hbm>> -> memref<1x1x128xf32, #tpu.memory_space<hbm>>
        %dma_start3A_289 = tpu.memref_squeeze %dma_start3A_288 : memref<1x1x128xf32, #tpu.memory_space<hbm>> -> memref<128xf32, #tpu.memory_space<hbm>>
        %dma_start3A_290 = arith.constant 99968 : i32
        %dma_start3A_291 = tpu.memref_slice %arg6[%dma_start3A_290] : memref<100096xf32, #tpu.memory_space<vmem>> -> memref<128xf32, #tpu.memory_space<vmem>>
        %dma_start3A_292 = arith.constant 0 : i32
        %dma_start3A_293 = tpu.memref_slice %arg3[%select_n3A_228, %select_n3A_244, %dma_start3A_292] : memref<26x32x128xf32, #tpu.memory_space<hbm>> -> memref<1x1x128xf32, #tpu.memory_space<hbm>>
        %dma_start3A_294 = tpu.memref_squeeze %dma_start3A_293 : memref<1x1x128xf32, #tpu.memory_space<hbm>> -> memref<128xf32, #tpu.memory_space<hbm>>
        tpu.enqueue_dma source(%dma_start3A_294 : memref<128xf32, #tpu.memory_space<hbm>>) target(%dma_start3A_291 : memref<128xf32, #tpu.memory_space<vmem>>) target_semaphore(%arg9 : memref<!tpu.dma_semaphore, #tpu.memory_space<semaphore_mem>>)
      } else {
      }
      "tpu.region"() ({
        %run_scoped3A = tpu.sem_alloc : memref<!tpu.dma_semaphore, #tpu.memory_space<semaphore_mem>>
        %dma_start3A_203 = arith.constant 8192 : i32
        %dma_start3A_204 = tpu.memref_slice %arg5[%add3A_92, %dma_start3A_203] : memref<832x16384xf32, #tpu.memory_space<hbm>> -> memref<1x8192xf32, #tpu.memory_space<hbm>>
        %dma_start3A_205 = tpu.memref_squeeze %dma_start3A_204 : memref<1x8192xf32, #tpu.memory_space<hbm>> -> memref<8192xf32, #tpu.memory_space<hbm>>
        %dma_start3A_206 = arith.constant 8192 : i32
        %dma_start3A_207 = tpu.memref_slice %arg5[%add3A_92, %dma_start3A_206] : memref<832x16384xf32, #tpu.memory_space<hbm>> -> memref<1x8192xf32, #tpu.memory_space<hbm>>
        %dma_start3A_208 = tpu.memref_squeeze %dma_start3A_207 : memref<1x8192xf32, #tpu.memory_space<hbm>> -> memref<8192xf32, #tpu.memory_space<hbm>>
        tpu.enqueue_dma source(%arg8 : memref<8192xf32, #tpu.memory_space<vmem>>) target(%dma_start3A_208 : memref<8192xf32, #tpu.memory_space<hbm>>) target_semaphore(%run_scoped3A : memref<!tpu.dma_semaphore, #tpu.memory_space<semaphore_mem>>)
        %dma_wait3A_209 = arith.constant 8192 : i32
        %dma_wait3A_210 = tpu.memref_slice %arg5[%add3A_92, %dma_wait3A_209] : memref<832x16384xf32, #tpu.memory_space<hbm>> -> memref<1x8192xf32, #tpu.memory_space<hbm>>
        %dma_wait3A_211 = tpu.memref_squeeze %dma_wait3A_210 : memref<1x8192xf32, #tpu.memory_space<hbm>> -> memref<8192xf32, #tpu.memory_space<hbm>>
        %dma_wait3A_212 = arith.constant 8192 : i32
        %dma_wait3A_213 = tpu.memref_slice %arg5[%add3A_92, %dma_wait3A_212] : memref<832x16384xf32, #tpu.memory_space<hbm>> -> memref<1x8192xf32, #tpu.memory_space<hbm>>
        %dma_wait3A_214 = tpu.memref_squeeze %dma_wait3A_213 : memref<1x8192xf32, #tpu.memory_space<hbm>> -> memref<8192xf32, #tpu.memory_space<hbm>>
        tpu.wait_dma2 semaphore(%run_scoped3A : memref<!tpu.dma_semaphore, #tpu.memory_space<semaphore_mem>>) src(%arg8 : memref<8192xf32, #tpu.memory_space<vmem>>) dst(%dma_wait3A_214 : memref<8192xf32, #tpu.memory_space<hbm>>)
        tpu.yield
      }) : () -> ()
      scf.yield %select_n3A_116 : i32
    }
    %scan3A_87 = arith.constant 26 : i32
    return
  }
}

</mosaic_0001>

<sc_bundles>
// kernel: _run.3.cloned.1.call-start
scs
__scs_entry_jumppad:
0x0: {  	(pc) =	sbr.rel $0x88, $3  }
0x1: {  	(tag) =	ssettag $0x0;
	lr =	simm.s32 $0x1  }
0x2: {  	[smem:$0x3F9E] =	sst lr;
	_ =	strace $0xD0000000  }
0x3: {  	_ = 	snop  }
0x4: {  	_ = 	snop  }
0x5: {  	_ = 	snop  }
0x6: {  	_ = 	snop  }
0x7: {  	_ = 	snop  }
__scs_overlays_trampoline_lowered:
0x8: {  	[smem:$0x3FAD] =	sst s0  }
0x9: {  	[smem:$0x3FAE] =	sst s1  }
0xa: {  	[smem:$0x3FAF] =	sst s2  }
0xb: {  	[smem:$0x3FB0] =	sst s3  }
0xc: {  	[smem:$0x3FB1] =	sst s4  }
0xd: {  	[smem:$0x3FB2] =	sst s5  }
0xe: {  	[smem:$0x3FB3] =	sst s6  }
0xf: {  	[smem:$0x3FB4] =	sst s7  }
0x10: {  	[smem:$0x3FB5] =	sst s8  }
0x11: {  	[smem:$0x3FB6] =	sst s9;
	s0 =	simm.s32 @!p0 $0x0  }
0x12: {  	s1 =	sld [smem:$0x3F9C];
	s0 =	simm.s32 @p0 $0x1  }
0x13: {  	[smem:$0x3FB7] =	sst s0;
	s0 =	simm.s32 @!p1 $0x0  }
0x14: {  	s2 =	sld [smem:$0x3F9B];
	s0 =	simm.s32 @p1 $0x1  }
0x15: {  	[smem:$0x3FB8] =	sst s0;
	s0 =	simm.s32 @!p2 $0x0  }
0x16: {  	s3 =	sld [smem:$0x3FDB];
	s0 =	simm.s32 @p2 $0x1  }
0x17: {  	s4 =	simm.s32 $0x1BF5;
	[smem:$0x3FBA] =	sst s0  }
0x18: {  	s0 =	sld [smem:$0x3F9D];
	_ =	swait.ge [sflag:s4], $0x0  }
0x19: {  	s7 =	sld [smem:$0x3F9E]  }
0x1a: {  	s8 =	sadd.s32 $0xFFFFE003, lr  }
0x1b: {  	s9 =	sadd.s32 $0xFFFFFEF7, lr;
	s5 =	simm.s32 $0xFFFFFFFF;
	p2 =	slt.u32 s8, $0xFFFFF086  }
0x1c: {  	p1 =	slt.u32 s9, $0xF7A;
	s5 =	simm.s32 @!p2 $0x0  }
0x1d: {  	s5 =	simm.s32 @p1 $0x1;
	p0 =	seq.s32 s7, s2  }
0x1e: {  	s7 =	smul.u32 @!p0 $0xF7A, s2;
	p2 =	seq.s32 @!p0 s5, $0x0  }
0x1f: {  	s9 =	smul.u32 $0xF7A, s1;
	s8 =	simm.s32 @!p0 $0x1BF5;
	p2 =	por !p2, p0  }
0x20: {  	[sflag:s8] =	ssyncset.s32 @!p0 $0xFFFFF086;
	s6 =	sadd.s32 @!p0 s3, s7;
	s7 =	simm.s32 @!p0 $0x108  }
0x21: {  	s3 =	sadd.s32 s3, s9;
	s6 =	sadd.s32 @!p0 $0x88, s6;
	s7 =	simm.s32 @p2 $0x1082  }
0x22: {  	[simem:s7], [sflag:s8] =	dma.local @!p0 [hbm:s6], $0xF7A  }
0x23: {  	s9 =	sor.u32 $0xD0000000, s2;
	s6 =	simm.s32 $0x108;
	_ =	swait.ge @!p0 [sflag:s8], $0x0  }
0x24: {  	s3 =	sadd.s32 $0x88, s3;
	s6 =	simm.s32 @!p1 $0x1082;
	[sflag:s4] =	ssyncset.s32 $0xFFFFF086  }
0x25: {  	[simem:s6], [sflag:s4] =	dma.local [hbm:s3], $0xF7A  }
0x26: {  	[smem:$0x3F9E] =	sst s1;
	(tag) =	ssettag s2;
	_ =	strace s9  }
0x27: {  	s1 =	sld [smem:$0x3FAE]  }
0x28: {  	s2 =	sld [smem:$0x3FAF]  }
0x29: {  	s4 =	sld [smem:$0x3FB1]  }
0x2a: {  	p0 =	seq.s32 s5, $0x0;
	s5 =	sld [smem:$0x3FB2]  }
0x2b: {  	s6 =	sld [smem:$0x3FB3]  }
0x2c: {  	s7 =	sld [smem:$0x3FB4]  }
0x2d: {  	s3 =	simm.s32 $0x108;
	s8 =	sld [smem:$0x3FB5]  }
0x2e: {  	s3 =	simm.s32 @!p0 $0x1082;
	s9 =	sld [smem:$0x3FB6]  }
0x2f: {  	lr =	sadd.s32 s0, s3;
	s0 =	sld [smem:$0x3FAD]  }
0x30: {  	s3 =	sld [smem:$0x3FB0]  }
0x31: {  	[smem:$0x3FB9] =	sst s10  }
0x32: {  	s10 =	sld [smem:$0x3FB7];
	_ =	sdelay $0x3  }
0x33: {  	p0 =	seq.s32 s10, $0x1;
	s10 =	sld [smem:$0x3FB9];
	_ =	sdelay $0x3  }
0x34: {  	[smem:$0x3FB9] =	sst s10  }
0x35: {  	s10 =	sld [smem:$0x3FB8];
	_ =	sdelay $0x3  }
0x36: {  	p1 =	seq.s32 s10, $0x1;
	s10 =	sld [smem:$0x3FB9];
	_ =	sdelay $0x3  }
0x37: {  	[smem:$0x3FB9] =	sst s10  }
0x38: {  	s10 =	sld [smem:$0x3FBA]  }
0x39: {  	_ = 	snop;
	(pc) =	sbr.ind lr, $3  }
0x3a: {  	_ = 	snop  }
0x3b: {  	_ = 	snop  }
0x3c: {  	p2 =	seq.s32 s10, $0x1;
	s10 =	sld [smem:$0x3FB9]  }
0x3d: {  	_ =	shalt  }
0x3e: {  	_ =	shalt  }
0x3f: {  	_ =	shalt  }
0x40: {  	_ =	shalt  }
0x41: {  	_ =	shalt  }
0x42: {  	_ =	shalt  }
0x43: {  	_ =	shalt  }
0x44: {  	_ =	shalt  }
0x45: {  	_ =	shalt  }
0x46: {  	_ =	shalt  }
0x47: {  	_ =	shalt  }
0x48: {  	_ =	shalt  }
0x49: {  	_ =	shalt  }
0x4a: {  	_ =	shalt  }
0x4b: {  	_ =	shalt  }
0x4c: {  	_ =	shalt  }
0x4d: {  	_ =	shalt  }
0x4e: {  	_ =	shalt  }
0x4f: {  	_ =	shalt  }
0x50: {  	_ =	shalt  }
0x51: {  	_ =	shalt  }
0x52: {  	_ =	shalt  }
0x53: {  	_ =	shalt  }
0x54: {  	_ =	shalt  }
0x55: {  	_ =	shalt  }
0x56: {  	_ =	shalt  }
0x57: {  	_ =	shalt  }
0x58: {  	_ =	shalt  }
0x59: {  	_ =	shalt  }
0x5a: {  	_ =	shalt  }
0x5b: {  	_ =	shalt  }
0x5c: {  	_ =	shalt  }
0x5d: {  	_ =	shalt  }
0x5e: {  	_ =	shalt  }
0x5f: {  	_ =	shalt  }
0x60: {  	_ =	shalt  }
0x61: {  	_ =	shalt  }
0x62: {  	_ =	shalt  }
0x63: {  	_ =	shalt  }
0x64: {  	_ =	shalt  }
0x65: {  	_ =	shalt  }
0x66: {  	_ =	shalt  }
0x67: {  	_ =	shalt  }
0x68: {  	_ =	shalt  }
0x69: {  	_ =	shalt  }
0x6a: {  	_ =	shalt  }
0x6b: {  	_ =	shalt  }
0x6c: {  	_ =	shalt  }
0x6d: {  	_ =	shalt  }
0x6e: {  	_ =	shalt  }
0x6f: {  	_ =	shalt  }
0x70: {  	_ =	shalt  }
0x71: {  	_ =	shalt  }
0x72: {  	_ =	shalt  }
0x73: {  	_ =	shalt  }
0x74: {  	_ =	shalt  }
0x75: {  	_ =	shalt  }
0x76: {  	_ =	shalt  }
0x77: {  	_ =	shalt  }
0x78: {  	_ =	shalt  }
0x79: {  	_ =	shalt  }
0x7a: {  	_ =	shalt  }
0x7b: {  	_ =	shalt  }
0x7c: {  	_ =	shalt  }
0x7d: {  	_ =	shalt  }
0x7e: {  	_ =	shalt  }
0x7f: {  	_ =	shalt  }
0x80: {  	_ =	shalt  }
0x81: {  	_ =	shalt  }
0x82: {  	_ =	shalt  }
0x83: {  	_ =	shalt  }
0x84: {  	_ =	shalt  }
0x85: {  	_ =	shalt  }
0x86: {  	_ =	shalt  }
0x87: {  	_ =	shalt  }
.Lfunc_end0:
.L_simem_size_0:
called_computation_lowered:
.L_overlay_start_0:
0x88: {  	s2 =	sld [smem:$0x3FD9]  }
0x89: {  	s3 =	sld [smem:$0x3FFE];
	_ =	sdelay $0x1  }
0x8a: {  	s1 =	srdreg.scid  }
0x8b: {  	s0 =	sand.u32 $0x1, s1  }
0x8c: {  	s18 =	sshll.u32 s0, $0xA;
	s2 =	sadd.s32 s3, s2  }
0x8d: {  	s2 =	sadd.s32 s2, s18  }
0x8e: {  	[smem:$0x3FC5] =	sst s2  }
0x8f: {  	_ = 	snop  }
0x90: {  	s2 =	sld [smem:$0x3FC9]  }
0x91: {  	s19 =	sld [smem:$0x3FC8]  }
0x92: {  	s4 =	sld [smem:$0x3FC7]  }
0x93: {  	s5 =	sld [smem:$0x3FD0];
	(tm) =	ssettm $0x1  }
0x94: {  	s6 =	sld [smem:$0x3FFB];
	_ =	sdelay $0x3  }
0x95: {  	_ =	strace s6  }
0x96: {  	s6 =	sld [smem:$0x3FFC];
	_ =	sdelay $0x3  }
0x97: {  	_ =	strace s6  }
0x98: {  	s6 =	sld [smem:$0x3FFD];
	_ =	sdelay $0x3  }
0x99: {  	_ =	strace s6  }
0x9a: {  	_ =	strace $0x8FFFFFFF  }
0x9b: {  	s20 =	sld [smem:$0x3FDB];
	_ =	sdelay $0x1  }
0x9c: {  	s7 =	simm.s32 $_scs_section_size  }
0x9d: {  	s8 =	simm.s32 $_size__tile_overlayer_lowered;
	s9 =	simm.s32 $_tile_overlayer_lowered  }
0x9e: {  	s23 =	simm.s32 $0x1BFF;
	s22 =	sshll.u32 s9, $0x1;
	s6 =	sadd.s32 s7, s20  }
0x9f: {  	s10 =	simm.s32 $0x0;
	s21 =	sshll.u32 s8, $0x1;
	s8 =	sadd.s32 s22, s6  }
0xa0: {  	[timem:s10], [sflag:s23] =	dma.local [hbm:s8], s21  }
0xa1: {  	_ =	swait.ge [sflag:s23], s21  }
0xa2: {  	s7 =	ssub.s32 $0x0, s21;
	[sflag:s23] =	ssyncset.done $0x0  }
0xa3: {  	[sflag:s23] =	ssyncadd.s32 s7;
	_ =	sdelay $0x1  }
0xa4: {  	s24 =	simm.s32 $0x1B8B  }
0xa5: {  	_ =	swait.ge [sflag:s24], $0x1  }
0xa6: {  	[sflag:s24] =	ssyncset.done $0x0  }
0xa7: {  	s25 =	simm.s32 $0x1B8E;
	[sflag:s24] =	ssyncadd.s32 $0xFFFFFFFF  }
0xa8: {  	s26 =	simm.s32 $execute0_lowered;
	[smem:$0x3FD2] =	sst s25  }
0xa9: {  	s7 =	sshll.u32 s26, $0x1;
	_ =	strace $0x80000046;
	[dreg:$0x1] =	wrdreg $0xFFFFFFFF  }
0xaa: {  	s28 =	simm.s32 $_size_execute0_lowered;
	s6 =	sadd.s32 s6, s7;
	[dreg:$0x0] =	wrdreg $0x0  }
0xab: {  	s7 =	sshll.u32 s28, $0x1;
	[dreg:$0x2] =	wrdreg s6  }
0xac: {  	[dreg:$0x3] =	wrdreg s7  }
0xad: {  	[dreg:$0x4] =	wrdreg $0xC0  }
0xae: {  	_ =	task [dreg:s10], $0x5FFFF  }
0xaf: {  	[dreg:$0x1] =	wrdreg $0xFFFFFFFF  }
0xb0: {  	[dreg:$0x0] =	wrdreg $0x60  }
0xb1: {  	[dreg:$0x2] =	wrdreg s19  }
0xb2: {  	[dreg:$0x3] =	wrdreg s4  }
0xb3: {  	[dreg:$0x4] =	wrdreg s2  }
0xb4: {  	[dreg:$0x5] =	wrdreg s5  }
0xb5: {  	[dreg:$0x6] =	wrdreg $0x9  }
0xb6: {  	_ =	task.clear_ibuf [dreg:s10], $0x7FFFF;
	_ =	strace $0x90000046  }
0xb7: {  	s29 =	simm.s32 $0x9;
	_ =	strace $0x80000048  }
0xb8: {  	_ =	swait.ge [sflag:s29], $0x1  }
0xb9: {  	[sflag:s29] =	ssyncadd.s32 $0xFFFFFFFF  }
0xba: {  	_ =	strace $0x90000048  }
0xbb: {  	_ =	sfence  }
0xbc: {  	s30 =	sld [smem:$0x0];
	_ =	sdelay $0x2  }
0xbd: {  	s31 =	sshll.u32 s1, $0xD;
	s1 =	sshrl.u32 s1, $0x2  }
0xbe: {  	s3 =	sand.u32 $0x4000, s31;
	s1 =	sadd.s32 s1, s30  }
0xbf: {  	s0 =	sor.u32 s3, s0;
	s1 =	sshll.u32 s1, $0x11  }
0xc0: {  	s0 =	sor.u32 s1, s0  }
0xc1: {  	s0 =	sadd.s32 $0x8F2B, s0  }
0xc2: {  	[sflag:s0] =	ssyncadd.remote.s32 $0x1  }
0xc3: {  	_ =	sfence.sel $0xFFFF  }
0xc4: {  	[dreg:$0x0] =	wrdreg $0xFFFFFFFF;
	(pc) =	sbr.abs _section_cstart, $3  }
0xc5: {  	[dreg:$0x1] =	wrdreg $0xFFFFFFFF  }
0xc6: {  	_ =	task.clear_ibuf [dreg:s10], $0x2FFFF;
	_ =	strace $0x9FFFFFFF  }
0xc7: {  	(tm) =	ssettm $0x7FFFFFFF  }
tec
execute0_lowered:
.L_overlay_start_1:
0x0: {  	(tag) =	ssettag $0x1  }
0x1: {  	s3 =	rddreg [dreg:$0x1]  }
0x2: {  	s1 =	srdreg.scid;
	s5 =	rddreg [dreg:$0x2]  }
0x3: {  	s0 =	stileid.u32;
	s6 =	rddreg [dreg:$0x3]  }
0x4: {  	s16 =	simm.s32 $0x400;
	s4 =	sand.u32 $0x1, s1;
	s22 =	sshll.u32 s0, $0x1  }
0x5: {  	s21 =	simm.s32 $0x1;
	s2 =	sor.u32 s4, s22;
	s4 =	ssub.s32 $0x2, s4  }
0x6: {  	s1 =	rddreg [dreg:$0x0];
	s2 =	smul.u32 $0x1A, s2;
	s24 =	sshrl.u32 s4, $0x1  }
0x7: {  	s22 =	simm.s32 $0x1C700;
	s4 =	ssub.s32 s4, s24;
	s24 =	simm.s32 $0x0  }
0x8: {  	s8 =	sshrl.u32 s2, $0x5;
	s7 =	sand.u32 $0x18, s2;
	s12 =	sshll.u32 s2, $0x7  }
0x9: {  	s9 =	sshrl.u32 s7, $0x3;
	s10 =	smul.u32 $0x30E000, s8;
	s7 =	simm.s32 $0x0  }
0xa: {  	s23 =	sand.u32 $0x300, s12;
	s11 =	smul.u32 $0xC3800, s9;
	[smem:$0x7FF] =	sst s7  }
0xb: {  	s14 =	sshll.u32 s8, $0xC;
	s15 =	sshll.u32 s9, $0xA;
	_ =	strace $0x80000047  }
0xc: {  	s26 =	sor.u32 s14, s15;
	s14 =	smax.u32 s4, $0x1;
	s10 =	sadd.s32 s10, s11  }
0xd: {  	s15 =	simm.s32 $0x80;
	s11 =	sor.u32 s23, s26;
	s10 =	sor.u32 s23, s10  }
0xe: {  	s31 =	sshrl.u32 s11, $0x3;
	s23 =	simm.s32 $0x2;
	s25 =	sshrl.u32 s10, $0x3  }
0xf: {  	s13 =	sadd.s32 $0x31000, s10;
	s28 =	sadd.s32 $0x61C00, s10;
	s10 =	sadd.s32 $0x92800, s10  }
0x10: {  	s12 =	sadd.s32 s3, s31;
	s13 =	sshrl.u32 s13, $0x3;
	s8 =	sadd.s32 s1, s25  }
0x11: {  	s29 =	sshrl.u32 s28, $0x3;
	s30 =	sshrl.u32 s10, $0x3;
	s9 =	sadd.s32 s1, s13  }
0x12: {  	s10 =	sadd.s32 s1, s29;
	s11 =	sadd.s32 s1, s30;
	s13 =	sadd.s32 $0x2000, s6  }
.LBB2_1:
0x13: {  	[tilespmem:s7], [sflag:$0x1] =	stream.strided.gather [hbm4b:s8+s15], $0x6200, s16, s15, $0x38;
	[tilespmem:$0x1E700] =	vst v63  }
0x14: {  	s0 =	simm.s32 $0x6200  }
0x15: {  	[tilespmem:s0], [sflag:$0x1] =	stream.strided.gather [hbm4b:s9+s15], $0x6180, s16, s15, $0x38;
	[tilespmem:$0x1E700] =	vst v63  }
0x16: {  	s29 =	simm.s32 $0xC380  }
0x17: {  	[tilespmem:s29], [sflag:$0x1] =	stream.strided.gather [hbm4b:s10+s15], $0x6180, s16, s15, $0x38;
	[tilespmem:$0x1E700] =	vst v63  }
0x18: {  	s30 =	simm.s32 $0x12500  }
0x19: {  	[tilespmem:s30], [sflag:$0x1] =	stream.strided.gather [hbm4b:s11+s15], $0x6180, s16, s15, $0x38;
	[tilespmem:$0x1E700] =	vst v63  }
0x1a: {  	s31 =	simm.s32 $0x18680;
	s25 =	simm.s32 $0xFFFFFFFF;
	s26 =	simm.s32 $0x0  }
0x1b: {  	[tilespmem:s31], [sflag:$0x1] =	stream.linear.gather [hbm4b:s12+s7], $0x80, $0x38;
	[tilespmem:$0x1E700] =	vst v63  }
.LBB2_2:
0x1c: {  	_ =	swait.ge [sflag:s21], $0x6200  }
0x1d: {  	[sflag:s21] =	ssyncset.done $0x0  }
0x1e: {  	[sflag:s21] =	ssyncadd.s32 $0xFFFF9E00  }
0x1f: {  	_ =	swait.ge [sflag:s21], $0x6180  }
0x20: {  	[sflag:s21] =	ssyncset.done $0x0  }
0x21: {  	[sflag:s21] =	ssyncadd.s32 $0xFFFF9E80  }
0x22: {  	_ =	swait.ge [sflag:s21], $0x6180  }
0x23: {  	s28 =	sadd.s32 s2, s26;
	[sflag:s21] =	ssyncset.done $0x0  }
0x24: {  	s4 =	smov.u32 s25;
	s25 =	sshrl.u32 s28, $0x5;
	[sflag:s21] =	ssyncadd.s32 $0xFFFF9E80  }
0x25: {  	p0 =	seq.s32 s25, s4;
	_ =	swait.ge [sflag:s21], $0x6180  }
0x26: {  	s4 =	sshll.u32 @!p0 s25, $0x4;
	[sflag:s21] =	ssyncset.done $0x0  }
0x27: {  	s29 =	sshll.u32 @!p0 s25, $0xB;
	s30 =	simm.s32 @!p0 $0x400;
	[sflag:s21] =	ssyncadd.s32 $0xFFFF9E80  }
0x28: {  	s31 =	simm.s32 @!p0 $0x18700;
	s4 =	sand.u32 @!p0 $0x70, s4;
	_ =	swait.ge [sflag:s21], $0x80  }
0x29: {  	s29 =	sand.u32 @!p0 $0xFFFC000, s29;
	s4 =	sadd.s32 @!p0 s5, s4;
	[sflag:s21] =	ssyncset.done $0x0  }
0x2a: {  	s4 =	sadd.s32 @!p0 s29, s4;
	s29 =	simm.s32 @!p0 $0x80;
	[sflag:s21] =	ssyncadd.s32 $0xFFFFFF80  }
0x2b: {  	[tilespmem:s31], [sflag:$0x2] =	stream.strided.gather @!p0 [hbm4b:s4+s29], $0x4000, s30, s29, $0x38;
	[tilespmem:$0x1E700] =	vst v63  }
0x2c: {  	s4 =	simm.s32 @!p0 $0x2  }
0x2d: {  	_ =	swait.ge @!p0 [sflag:s4], $0x4000  }
0x2e: {  	[sflag:s4] =	ssyncset.done @!p0 $0x0  }
0x2f: {  	s29 =	simm.s32 $0x0;
	[sflag:s4] =	ssyncadd.s32 @!p0 $0xFFFFC000  }
0x30: {  	v0 =	vld [tilespmem:s29+$0x18700];
	_ =	sdelay $0x5  }
0x31: {  	v1 =	vld [tilespmem:s29+$0x18710];
	_ =	sdelay $0x1  }
0x32: {  	v0 =	vld.idx.msk [tilespmem:v0+s7+$0x0], $0xffff;
	_ =	sdelay $0x4  }
0x33: {  	[tilespmem:s29+$0x1C700] =	vst v0;
	v0 =	vld [tilespmem:s29+$0x18720]  }
0x34: {  	v1 =	vld.idx.msk [tilespmem:v1+s7+$0x0], $0xffff;
	_ =	sdelay $0x4  }
0x35: {  	[tilespmem:s29+$0x1C710] =	vst v1;
	v1 =	vld [tilespmem:s29+$0x18730];
	_ =	sdelay $0x1  }
0x36: {  	v0 =	vld.idx.msk [tilespmem:v0+s7+$0x0], $0xffff;
	_ =	sdelay $0x4  }
0x37: {  	[tilespmem:s29+$0x1C720] =	vst v0;
	v0 =	vld [tilespmem:s29+$0x18740]  }
0x38: {  	v1 =	vld.idx.msk [tilespmem:v1+s7+$0x0], $0xffff;
	_ =	sdelay $0x4  }
0x39: {  	[tilespmem:s29+$0x1C730] =	vst v1;
	v1 =	vld [tilespmem:s29+$0x18750];
	_ =	sdelay $0x1  }
0x3a: {  	v0 =	vld.idx.msk [tilespmem:v0+s7+$0x0], $0xffff;
	_ =	sdelay $0x4  }
0x3b: {  	v2 =	vld [tilespmem:s29+$0x18760];
	[tilespmem:s29+$0x1C740] =	vst v0  }
0x3c: {  	v0 =	vld.idx.msk [tilespmem:v1+s7+$0x0], $0xffff;
	_ =	sdelay $0x4  }
0x3d: {  	[tilespmem:s29+$0x1C750] =	vst v0;
	v0 =	vld [tilespmem:s29+$0x18770];
	_ =	sdelay $0x1  }
0x3e: {  	v1 =	vld.idx.msk [tilespmem:v2+s7+$0x0], $0xffff;
	_ =	sdelay $0x3  }
0x3f: {  	s30 =	simm.s32 $0x400;
	s4 =	simm.s32 $0x80  }
.LBB2_3:
0x40: {  	p0 =	sne.s32 s30, $0x7E00;
	v2 =	vld [tilespmem:s4+$0x18700];
	[tilespmem:s29+$0x1C760] =	vst v1  }
0x41: {  	v0 =	vld.idx.msk [tilespmem:v0+s7+$0x0], $0xffff;
	_ =	sdelay $0x5  }
0x42: {  	v1 =	vld [tilespmem:s4+$0x18710];
	[tilespmem:s29+$0x1C770] =	vst v0;
	s29 =	smov.u32 s4  }
0x43: {  	v0 =	vld.idx.msk [tilespmem:v2+s7+$0x0], $0xffff;
	_ =	sdelay $0x5  }
0x44: {  	[tilespmem:s29+$0x1C700] =	vst v0;
	v0 =	vld [tilespmem:s29+$0x18720]  }
0x45: {  	v1 =	vld.idx.msk [tilespmem:v1+s7+$0x0], $0xffff;
	_ =	sdelay $0x5  }
0x46: {  	[tilespmem:s29+$0x1C710] =	vst v1;
	v1 =	vld [tilespmem:s29+$0x18730]  }
0x47: {  	v0 =	vld.idx.msk [tilespmem:v0+s7+$0x0], $0xffff;
	_ =	sdelay $0x5  }
0x48: {  	[tilespmem:s29+$0x1C720] =	vst v0;
	v0 =	vld [tilespmem:s29+$0x18740]  }
0x49: {  	v1 =	vld.idx.msk [tilespmem:v1+s7+$0x0], $0xffff;
	_ =	sdelay $0x5  }
0x4a: {  	[tilespmem:s29+$0x1C730] =	vst v1;
	v1 =	vld [tilespmem:s29+$0x18750]  }
0x4b: {  	v0 =	vld.idx.msk [tilespmem:v0+s7+$0x0], $0xffff;
	_ =	sdelay $0x5  }
0x4c: {  	[tilespmem:s29+$0x1C740] =	vst v0;
	v2 =	vld [tilespmem:s29+$0x18760]  }
0x4d: {  	v0 =	vld.idx.msk [tilespmem:v1+s7+$0x0], $0xffff;
	_ =	sdelay $0x5  }
0x4e: {  	[tilespmem:s29+$0x1C750] =	vst v0;
	v0 =	vld [tilespmem:s29+$0x18770]  }
0x4f: {  	v1 =	vld.idx.msk [tilespmem:v2+s7+$0x0], $0xffff  }
.Ltmp0:
0x50: {  	(pc) =	sbr.rel @p0 .LBB2_3-.Ltmp0, $2  }
0x51: {  	_ =	sdelay $0x2  }
0x52: {  	s4 =	sshra.s32 s30, $0x2;
	s30 =	sadd.s32 $0x200, s30  }
0x53: {  	_ =	sdelay $0x1  }
0x54: {  	v2 =	vld [tilespmem:s4+$0x18700]  }
0x55: {  	[tilespmem:s29+$0x1C760] =	vst v1  }
0x56: {  	v0 =	vld.idx.msk [tilespmem:v0+s7+$0x0], $0xffff;
	_ =	sdelay $0x3  }
0x57: {  	v1 =	vld [tilespmem:s4+$0x18710]  }
0x58: {  	[tilespmem:s29+$0x1C770] =	vst v0  }
0x59: {  	v0 =	vld.idx.msk [tilespmem:v2+s7+$0x0], $0xffff;
	_ =	sdelay $0x4  }
0x5a: {  	[tilespmem:s4+$0x1C700] =	vst v0;
	v0 =	vld [tilespmem:s4+$0x18720]  }
0x5b: {  	v1 =	vld.idx.msk [tilespmem:v1+s7+$0x0], $0xffff;
	_ =	sdelay $0x4  }
0x5c: {  	[tilespmem:s4+$0x1C710] =	vst v1;
	v1 =	vld [tilespmem:s4+$0x18730];
	_ =	sdelay $0x1  }
0x5d: {  	v0 =	vld.idx.msk [tilespmem:v0+s7+$0x0], $0xffff;
	_ =	sdelay $0x4  }
0x5e: {  	[tilespmem:s4+$0x1C720] =	vst v0;
	v0 =	vld [tilespmem:s4+$0x18740]  }
0x5f: {  	v1 =	vld.idx.msk [tilespmem:v1+s7+$0x0], $0xffff;
	_ =	sdelay $0x4  }
0x60: {  	[tilespmem:s4+$0x1C730] =	vst v1;
	v1 =	vld [tilespmem:s4+$0x18750];
	_ =	sdelay $0x1  }
0x61: {  	v0 =	vld.idx.msk [tilespmem:v0+s7+$0x0], $0xffff;
	_ =	sdelay $0x4  }
0x62: {  	[tilespmem:s4+$0x1C740] =	vst v0;
	v0 =	vld [tilespmem:s4+$0x18760]  }
0x63: {  	v1 =	vld.idx.msk [tilespmem:v1+s7+$0x0], $0xffff;
	_ =	sdelay $0x4  }
0x64: {  	[tilespmem:s4+$0x1C750] =	vst v1;
	v1 =	vld [tilespmem:s4+$0x18770];
	_ =	sdelay $0x1  }
0x65: {  	v0 =	vld.idx.msk [tilespmem:v0+s7+$0x0], $0xffff;
	_ =	sdelay $0x4  }
0x66: {  	[tilespmem:s4+$0x1C760] =	vst v0  }
0x67: {  	v0 =	vld.idx.msk [tilespmem:v1+s7+$0x0], $0xffff;
	_ =	sdelay $0x1  }
0x68: {  	s30 =	sshll.u32 s28, $0x4;
	s29 =	sshll.u32 s28, $0xB  }
0x69: {  	s30 =	sand.u32 $0x70, s30;
	s29 =	sand.u32 $0xFFFC000, s29  }
0x6a: {  	s29 =	sor.u32 s30, s29  }
0x6b: {  	s20 =	sadd.s32 s6, s29;
	[tilespmem:s4+$0x1C770] =	vst v0  }
0x6c: {  	[hbm4b:s20+s15] =	stream.strided.scatter [tilespmem:s22], [sflag:$0x2], $0x2000, s16, s15, $0x38;
	[tilespmem:$0x1E700] =	vst v63  }
0x6d: {  	_ =	swait.ge [sflag:s23], $0x2000  }
0x6e: {  	[sflag:s23] =	ssyncset.done $0x0  }
0x6f: {  	s30 =	simm.s32 $0x40;
	[sflag:s23] =	ssyncadd.s32 $0xFFFFE000  }
0x70: {  	v0 =	vld [tilespmem:s30+$0x1A6C0];
	_ =	sdelay $0x5  }
0x71: {  	v1 =	vld [tilespmem:s30+$0x1A6D0];
	_ =	sdelay $0x1  }
0x72: {  	v0 =	vld.idx.msk [tilespmem:v0+s7+$0x0], $0xffff;
	_ =	sdelay $0x4  }
0x73: {  	[tilespmem:s30+$0x1C6C0] =	vst v0;
	v0 =	vld [tilespmem:s30+$0x1A6E0]  }
0x74: {  	v1 =	vld.idx.msk [tilespmem:v1+s7+$0x0], $0xffff;
	_ =	sdelay $0x4  }
0x75: {  	[tilespmem:s30+$0x1C6D0] =	vst v1;
	v1 =	vld [tilespmem:s30+$0x1A6F0];
	_ =	sdelay $0x1  }
0x76: {  	v0 =	vld.idx.msk [tilespmem:v0+s7+$0x0], $0xffff;
	_ =	sdelay $0x4  }
0x77: {  	[tilespmem:s30+$0x1C6E0] =	vst v0;
	v0 =	vld [tilespmem:s30+$0x1A700]  }
0x78: {  	v1 =	vld.idx.msk [tilespmem:v1+s7+$0x0], $0xffff;
	_ =	sdelay $0x4  }
0x79: {  	[tilespmem:s30+$0x1C6F0] =	vst v1;
	v1 =	vld [tilespmem:s30+$0x1A710];
	_ =	sdelay $0x1  }
0x7a: {  	v0 =	vld.idx.msk [tilespmem:v0+s7+$0x0], $0xffff;
	_ =	sdelay $0x4  }
0x7b: {  	v2 =	vld [tilespmem:s30+$0x1A720];
	[tilespmem:s30+$0x1C700] =	vst v0  }
0x7c: {  	v0 =	vld.idx.msk [tilespmem:v1+s7+$0x0], $0xffff;
	_ =	sdelay $0x4  }
0x7d: {  	[tilespmem:s30+$0x1C710] =	vst v0;
	v0 =	vld [tilespmem:s30+$0x1A730];
	_ =	sdelay $0x1  }
0x7e: {  	v1 =	vld.idx.msk [tilespmem:v2+s7+$0x0], $0xffff;
	_ =	sdelay $0x3  }
0x7f: {  	s31 =	simm.s32 $0x500;
	s4 =	simm.s32 $0xC0  }
.LBB2_5:
0x80: {  	p0 =	sne.s32 s31, $0x7F00;
	v2 =	vld [tilespmem:s4+$0x1A6C0];
	[tilespmem:s30+$0x1C720] =	vst v1  }
0x81: {  	v0 =	vld.idx.msk [tilespmem:v0+s7+$0x0], $0xffff;
	_ =	sdelay $0x5  }
0x82: {  	v1 =	vld [tilespmem:s4+$0x1A6D0];
	[tilespmem:s30+$0x1C730] =	vst v0;
	s30 =	smov.u32 s4  }
0x83: {  	v0 =	vld.idx.msk [tilespmem:v2+s7+$0x0], $0xffff;
	_ =	sdelay $0x5  }
0x84: {  	[tilespmem:s30+$0x1C6C0] =	vst v0;
	v0 =	vld [tilespmem:s30+$0x1A6E0]  }
0x85: {  	v1 =	vld.idx.msk [tilespmem:v1+s7+$0x0], $0xffff;
	_ =	sdelay $0x5  }
0x86: {  	[tilespmem:s30+$0x1C6D0] =	vst v1;
	v1 =	vld [tilespmem:s30+$0x1A6F0]  }
0x87: {  	v0 =	vld.idx.msk [tilespmem:v0+s7+$0x0], $0xffff;
	_ =	sdelay $0x5  }
0x88: {  	[tilespmem:s30+$0x1C6E0] =	vst v0;
	v0 =	vld [tilespmem:s30+$0x1A700]  }
0x89: {  	v1 =	vld.idx.msk [tilespmem:v1+s7+$0x0], $0xffff;
	_ =	sdelay $0x5  }
0x8a: {  	[tilespmem:s30+$0x1C6F0] =	vst v1;
	v1 =	vld [tilespmem:s30+$0x1A710]  }
0x8b: {  	v0 =	vld.idx.msk [tilespmem:v0+s7+$0x0], $0xffff;
	_ =	sdelay $0x5  }
0x8c: {  	[tilespmem:s30+$0x1C700] =	vst v0;
	v2 =	vld [tilespmem:s30+$0x1A720]  }
0x8d: {  	v0 =	vld.idx.msk [tilespmem:v1+s7+$0x0], $0xffff;
	_ =	sdelay $0x5  }
0x8e: {  	[tilespmem:s30+$0x1C710] =	vst v0;
	v0 =	vld [tilespmem:s30+$0x1A730]  }
0x8f: {  	v1 =	vld.idx.msk [tilespmem:v2+s7+$0x0], $0xffff  }
.Ltmp1:
0x90: {  	(pc) =	sbr.rel @p0 .LBB2_5-.Ltmp1, $2  }
0x91: {  	_ =	sdelay $0x2  }
0x92: {  	s4 =	sshra.s32 s31, $0x2;
	s31 =	sadd.s32 $0x200, s31  }
0x93: {  	_ =	sdelay $0x1  }
0x94: {  	v2 =	vld [tilespmem:s4+$0x1A6C0]  }
0x95: {  	[tilespmem:s30+$0x1C720] =	vst v1  }
0x96: {  	v0 =	vld.idx.msk [tilespmem:v0+s7+$0x0], $0xffff;
	_ =	sdelay $0x3  }
0x97: {  	v1 =	vld [tilespmem:s4+$0x1A6D0]  }
0x98: {  	[tilespmem:s30+$0x1C730] =	vst v0  }
0x99: {  	v0 =	vld.idx.msk [tilespmem:v2+s7+$0x0], $0xffff;
	_ =	sdelay $0x3  }
0x9a: {  	v58 =	vld [tilespmem:s4+$0x1A6E0]  }
0x9b: {  	[tilespmem:s4+$0x1C6C0] =	vst v0  }
0x9c: {  	v1 =	vld.idx.msk [tilespmem:v1+s7+$0x0], $0xffff;
	_ =	sdelay $0x3  }
0x9d: {  	v59 =	vld [tilespmem:s4+$0x1A6F0]  }
0x9e: {  	[tilespmem:s4+$0x1C6D0] =	vst v1  }
0x9f: {  	v0 =	vld.idx.msk [tilespmem:v58+s7+$0x0], $0xffff;
	_ =	sdelay $0x3  }
0xa0: {  	v60 =	vld [tilespmem:s4+$0x1A700]  }
0xa1: {  	[tilespmem:s4+$0x1C6E0] =	vst v0  }
0xa2: {  	v1 =	vld.idx.msk [tilespmem:v59+s7+$0x0], $0xffff;
	_ =	sdelay $0x3  }
0xa3: {  	v61 =	vld [tilespmem:s4+$0x1A710]  }
0xa4: {  	[tilespmem:s4+$0x1C6F0] =	vst v1  }
0xa5: {  	v0 =	vld.idx.msk [tilespmem:v60+s7+$0x0], $0xffff;
	_ =	sdelay $0x3  }
0xa6: {  	v62 =	vld [tilespmem:s4+$0x1A720]  }
0xa7: {  	[tilespmem:s4+$0x1C700] =	vst v0  }
0xa8: {  	v1 =	vld.idx.msk [tilespmem:v61+s7+$0x0], $0xffff;
	_ =	sdelay $0x3  }
0xa9: {  	v63 =	vld [tilespmem:s4+$0x1A730]  }
0xaa: {  	[tilespmem:s4+$0x1C710] =	vst v1  }
0xab: {  	v0 =	vld.idx.msk [tilespmem:v62+s7+$0x0], $0xffff  }
0xac: {  	p0 =	seq.s32 s26, $0x19  }
0xad: {  	s28 =	sadd.s32 @!p0 $0x1, s28  }
0xae: {  	s31 =	sshrl.u32 @!p0 s28, $0x3  }
0xaf: {  	s31 =	sand.u32 @!p0 $0x3, s31  }
0xb0: {  	s17 =	smul.u32 @!p0 $0xC3800, s31;
	s30 =	sshrl.u32 @!p0 s28, $0x5;
	[tilespmem:s4+$0x1C720] =	vst v0  }
0xb1: {  	s0 =	smul.u32 @!p0 $0x30E000, s30;
	v0 =	vld.idx.msk [tilespmem:v63+s7+$0x0], $0xffff  }
0xb2: {  	s28 =	sshll.u32 @!p0 s28, $0x7  }
0xb3: {  	s0 =	sadd.s32 @!p0 s0, s17;
	s17 =	sand.u32 @!p0 $0x380, s28  }
0xb4: {  	s0 =	sor.u32 @!p0 s17, s0  }
0xb5: {  	s18 =	simm.s32 @!p0 $0x400;
	s28 =	sshrl.u32 @!p0 s0, $0x3  }
0xb6: {  	s19 =	simm.s32 @!p0 $0x0;
	s28 =	sadd.s32 @!p0 s1, s28;
	[tilespmem:s4+$0x1C730] =	vst v0;
	s4 =	simm.s32 @!p0 $0x80  }
0xb7: {  	[tilespmem:s19], [sflag:$0x1] =	stream.strided.gather @!p0 [hbm4b:s28+s4], $0x6200, s18, s4, $0x38;
	[tilespmem:$0x1E700] =	vst v63  }
0xb8: {  	s28 =	sadd.s32 @!p0 $0x31000, s0  }
0xb9: {  	s28 =	sshrl.u32 @!p0 s28, $0x3  }
0xba: {  	s20 =	simm.s32 @!p0 $0x6200;
	s28 =	sadd.s32 @!p0 s1, s28  }
0xbb: {  	[tilespmem:s20], [sflag:$0x1] =	stream.strided.gather @!p0 [hbm4b:s28+s4], $0x6180, s18, s4, $0x38;
	[tilespmem:$0x1E700] =	vst v63  }
0xbc: {  	s20 =	sadd.s32 @!p0 $0x61C00, s0  }
0xbd: {  	s0 =	sadd.s32 @!p0 $0x92800, s0;
	s20 =	sshrl.u32 @!p0 s20, $0x3  }
0xbe: {  	s28 =	simm.s32 @!p0 $0xC380;
	s0 =	sshrl.u32 @!p0 s0, $0x3;
	s20 =	sadd.s32 @!p0 s1, s20  }
0xbf: {  	[tilespmem:s28], [sflag:$0x1] =	stream.strided.gather @!p0 [hbm4b:s20+s4], $0x6180, s18, s4, $0x38;
	[tilespmem:$0x1E700] =	vst v63  }
0xc0: {  	s0 =	sadd.s32 @!p0 s1, s0;
	s20 =	simm.s32 @!p0 $0x12500  }
0xc1: {  	[tilespmem:s20], [sflag:$0x1] =	stream.strided.gather @!p0 [hbm4b:s0+s4], $0x6180, s18, s4, $0x38;
	[tilespmem:$0x1E700] =	vst v63  }
0xc2: {  	s0 =	sshll.u32 @!p0 s30, $0xC;
	s4 =	sshll.u32 @!p0 s31, $0xA  }
0xc3: {  	s0 =	sor.u32 @!p0 s0, s4  }
0xc4: {  	s0 =	sor.u32 @!p0 s17, s0  }
0xc5: {  	s0 =	sshrl.u32 @!p0 s0, $0x3  }
0xc6: {  	s26 =	sadd.s32 $0x1, s26;
	s4 =	simm.s32 @!p0 $0x18680;
	s0 =	sadd.s32 @!p0 s3, s0  }
0xc7: {  	[tilespmem:s4], [sflag:$0x1] =	stream.linear.gather @!p0 [hbm4b:s0+s19], $0x80, $0x38;
	[tilespmem:$0x1E700] =	vst v63  }
0xc8: {  	p0 =	sne.s32 s26, $0x1A  }
.Ltmp2:
0xc9: {  	s31 =	sadd.s32 s29, s13;
	(pc) =	sbr.rel @p0 .LBB2_2-.Ltmp2, $4  }
0xca: {  	[hbm4b:s31+s15] =	stream.strided.scatter [tilespmem:s22], [sflag:$0x2], $0x2000, s16, s15, $0x38;
	[tilespmem:$0x1E700] =	vst v63  }
0xcb: {  	_ =	swait.ge [sflag:s23], $0x2000  }
0xcc: {  	[sflag:s23] =	ssyncset.done $0x0  }
0xcd: {  	[sflag:s23] =	ssyncadd.s32 $0xFFFFE000  }
0xce: {  	s24 =	sadd.s32 $0x1, s24  }
0xcf: {  	p0 =	sne.s32 s24, s14  }
.Ltmp3:
0xd0: {  	_ = 	snop;
	(pc) =	sbr.rel @p0 .LBB2_1-.Ltmp3, $1  }
0xd1: {  	_ =	sdelay $0x3  }
0xd2: {  	_ =	sfence.sel $0x180000  }
0xd3: {  	[bflag:$0x0] =	sbarrier.arrive $0xFFFF  }
0xd4: {  	_ =	strace $0x90000047  }
0xd5: {  	s0 =	stileid.u32;
	[bflag:$0x2] =	sbarrier.arrive $0xFFFF  }
0xd6: {  	p0 =	sne.s32 s0, $0x0;
	s0 =	rddreg [dreg:$0x4]  }
0xd7: {  	s0 =	sadd.s32 @!p0 $0x100000, s0  }
0xd8: {  	[sflag:s0] =	ssyncadd.tile.s32 @!p0 $0x1;
	_ =	shalt  }
.Lfunc_end2:
_tile_overlayer_lowered:
.L_overlay_start_2:
0xd9: {  	(tag) =	ssettag $0x2  }
0xda: {  	s0 =	rddreg [dreg:$0x0];
	s2 =	stileid.u32  }
0xdb: {  	s1 =	rddreg [dreg:$0x1];
	p0 =	sne.s32 s2, $0x0  }
0xdc: {  	s3 =	rddreg [dreg:$0x2];
	[bflag:$0x3] =	sbarrier.arrive $0xFFFF;
	s2 =	simm.s32 @!p0 $0x1C02  }
0xdd: {  	[timem:s3], [sflag:s2] =	dma.local @!p0 [hbm:s0], s1  }
0xde: {  	s0 =	simm.s32 @!p0 $0x2  }
0xdf: {  	_ =	swait.ge @!p0 [sflag:s0], s1  }
0xe0: {  	s1 =	ssub.s32 @!p0 $0x0, s1;
	[sflag:s0] =	ssyncset.done @!p0 $0x0  }
0xe1: {  	[sflag:s0] =	ssyncadd.s32 @!p0 s1  }
0xe2: {  	[bflag:$0x3] =	sbarrier.arrive $0xFFFF  }
0xe3: {  	_ =	shalt  }

</sc_bundles>
